<compile_context>
chip_gen: v7x
topology: tpu7x:2x2x1
jax: 0.10.2.dev20260603
libtpu: 0.0.44.dev20260713+nightly
codegen_flags: <defaults>
</compile_context>

<pallas_src>
import functools

import jax
import jax.numpy as jnp
from jax import lax
from jax.experimental import pallas as pl
from jax.experimental.pallas import tpu as pltpu
from jax.experimental.pallas import tpu_sc as plsc

NUM_CLASSES = 26
BATCH = 16384
NUM_CORES = 2
NUM_SUBCORES = 16
LANES = 16
NUM_WORKERS = NUM_CORES * NUM_SUBCORES
ROWS_PER_W = BATCH // NUM_WORKERS
GROUPS = ROWS_PER_W // LANES
CHUNK_ROWS = ((0, 64), (64, 64), (128, 128), (256, 256))
NUM_CHUNKS = len(CHUNK_ROWS)


@functools.partial(
    pl.kernel,
    out_type=jax.ShapeDtypeStruct((BATCH,), jnp.int32),
    mesh=plsc.VectorSubcoreMesh(core_axis_name="c", subcore_axis_name="s"),
    compiler_params=pltpu.CompilerParams(needs_layout_passes=False),
    scratch_types=[
        pltpu.VMEM((ROWS_PER_W, NUM_CLASSES), jnp.float32),
        pltpu.VMEM((NUM_CLASSES,), jnp.int32),
        pltpu.VMEM((ROWS_PER_W,), jnp.int32),
        [pltpu.SemaphoreType.DMA] * NUM_CHUNKS,
    ],
)
def _prob_to_label_sc(in_hbm, tab_hbm, out_hbm, vals_v, tab_v, out_v, sems):
    wid = lax.axis_index("s") * NUM_CORES + lax.axis_index("c")
    base_row = wid * ROWS_PER_W

    copies = []
    for k, (r0, nr) in enumerate(CHUNK_ROWS):
        copies.append(pltpu.async_copy(
            in_hbm.at[pl.ds(base_row + r0, nr), :],
            vals_v.at[pl.ds(r0, nr), :],
            sems[k],
        ))
    pltpu.sync_copy(tab_hbm, tab_v)

    lane = lax.iota(jnp.int32, LANES)
    consts = [jnp.full((LANES,), c, jnp.int32) for c in range(NUM_CLASSES)]

    def body(g):
        rows = g * LANES + lane
        items = [
            (plsc.load_gather(vals_v, [rows, consts[c]]), consts[c])
            for c in range(NUM_CLASSES)
        ]
        while len(items) > 1:
            nxt = []
            for i in range(0, len(items) - 1, 2):
                (va, ia), (vb, ib) = items[i], items[i + 1]
                upd = vb > va
                nxt.append((jnp.maximum(va, vb), jnp.where(upd, ib, ia)))
            if len(items) % 2:
                nxt.append(items[-1])
            items = nxt
        _, best_i = items[0]
        labels = plsc.load_gather(tab_v, [best_i])
        out_v[pl.ds(g * LANES, LANES)] = labels

    for k, (r0, nr) in enumerate(CHUNK_ROWS):
        copies[k].wait()
        plsc.parallel_loop(r0 // LANES, (r0 + nr) // LANES, unroll=2)(body)

    pltpu.sync_copy(out_v, out_hbm.at[pl.ds(base_row, ROWS_PER_W)])


def kernel(inputs, label_table):
    return _prob_to_label_sc(inputs, label_table)

# --- scband reference (transcript-rebuilt; emitter-appended) ---
"""Pipeline reference for scband-prob-to-label-37873021616310 (READ-ONLY COPY).

The authoritative reference and input builder live on the scoring server;
editing this copy changes nothing except your own understanding.
"""

import jax, jax.numpy as jnp
import numpy as np

NUM_CLASSES = 26
BATCH = 16384


def setup_inputs(seed: int = 0) -> dict:
    key = jax.random.key(seed)
    inputs = jax.random.uniform(key, (BATCH, NUM_CLASSES), dtype=jnp.float32)
    # The original layer maps argmax index -> string label via i_cl_map.
    # Strings are not representable in jax arrays, so labels are encoded as
    # int32 label ids in a lookup table (id j corresponds to i_cl_map[j]).
    label_table = jnp.arange(NUM_CLASSES, dtype=jnp.int32)
    return {"inputs": inputs, "label_table": label_table}


def reference(inputs, label_table):
    # i_cl = tf.argmax(inputs, axis=-1)
    i_cl = jnp.argmax(inputs, axis=-1)
    # tf.map_fn + tf.case over i_cl_map keys is exactly an index->label lookup:
    y = jnp.take(label_table, i_cl, axis=0)
    return y

if __name__ == "__main__":
    import jax
    _d = setup_inputs()
    print(jax.jit(kernel)(*tuple(_d.values())))

</pallas_src>

<mosaic_0001>
#map = affine_map<(d0, d1) -> (0, 0)>
#map1 = affine_map<(d0, d1) -> (0)>
module attributes {stable_mosaic.version = 14 : i64} {
  func.func @_prob_to_label_sc(%arg0: i32, %arg1: i32, %arg2: memref<16384x26xf32, #tpu.memory_space<hbm>>, %arg3: memref<26xi32, #tpu.memory_space<hbm>>, %arg4: memref<16384xi32, #tpu.memory_space<hbm>>, %arg5: memref<512x26xf32, #tpu.memory_space<vmem>>, %arg6: memref<26xi32, #tpu.memory_space<vmem>>, %arg7: memref<512xi32, #tpu.memory_space<vmem>>, %arg8: memref<!tpu.dma_semaphore, #tpu.memory_space<semaphore_mem>>, %arg9: memref<!tpu.dma_semaphore, #tpu.memory_space<semaphore_mem>>, %arg10: memref<!tpu.dma_semaphore, #tpu.memory_space<semaphore_mem>>, %arg11: memref<!tpu.dma_semaphore, #tpu.memory_space<semaphore_mem>>) attributes {dimension_semantics = [#tpu.dimension_semantics<core_parallel>, #tpu.dimension_semantics<subcore_parallel>], iteration_bounds = array<i64: 2, 16>, scalar_prefetch = 0 : i64, scratch_operands = 7 : i64, tpu.core_type = #tpu.core_type<sc_vector_subcore>, window_params = [{transform_indices = #map}, {transform_indices = #map1}, {transform_indices = #map1}]} {
    %mul3A = arith.constant 2 : i32
    %mul3A_0 = arith.muli %arg1, %mul3A : i32
    %add3A = arith.addi %mul3A_0, %arg0 : i32
    %mul3A_1 = arith.constant 512 : i32
    %mul3A_2 = arith.muli %add3A, %mul3A_1 : i32
    %add3A_3 = arith.constant 0 : i32
    %add3A_4 = arith.addi %mul3A_2, %add3A_3 : i32
    %dma_start3A = arith.constant 0 : i32
    %dma_start3A_5 = arith.constant 0 : i32
    %dma_start3A_6 = tpu.memref_slice %arg5[%dma_start3A, %dma_start3A_5] : memref<512x26xf32, #tpu.memory_space<vmem>> -> memref<64x26xf32, #tpu.memory_space<vmem>>
    %dma_start3A_7 = arith.constant 0 : i32
    %dma_start3A_8 = tpu.memref_slice %arg2[%add3A_4, %dma_start3A_7] : memref<16384x26xf32, #tpu.memory_space<hbm>> -> memref<64x26xf32, #tpu.memory_space<hbm>>
    %dma_start3A_9 = arith.constant 0 : i32
    %dma_start3A_10 = arith.constant 0 : i32
    %dma_start3A_11 = tpu.memref_slice %arg5[%dma_start3A_9, %dma_start3A_10] : memref<512x26xf32, #tpu.memory_space<vmem>> -> memref<64x26xf32, #tpu.memory_space<vmem>>
    %dma_start3A_12 = arith.constant 0 : i32
    %dma_start3A_13 = tpu.memref_slice %arg2[%add3A_4, %dma_start3A_12] : memref<16384x26xf32, #tpu.memory_space<hbm>> -> memref<64x26xf32, #tpu.memory_space<hbm>>
    tpu.enqueue_dma source(%dma_start3A_13 : memref<64x26xf32, #tpu.memory_space<hbm>>) target(%dma_start3A_11 : memref<64x26xf32, #tpu.memory_space<vmem>>) target_semaphore(%arg8 : memref<!tpu.dma_semaphore, #tpu.memory_space<semaphore_mem>>)
    %add3A_14 = arith.constant 64 : i32
    %add3A_15 = arith.addi %mul3A_2, %add3A_14 : i32
    %dma_start3A_16 = arith.constant 64 : i32
    %dma_start3A_17 = arith.constant 0 : i32
    %dma_start3A_18 = tpu.memref_slice %arg5[%dma_start3A_16, %dma_start3A_17] : memref<512x26xf32, #tpu.memory_space<vmem>> -> memref<64x26xf32, #tpu.memory_space<vmem>>
    %dma_start3A_19 = arith.constant 0 : i32
    %dma_start3A_20 = tpu.memref_slice %arg2[%add3A_15, %dma_start3A_19] : memref<16384x26xf32, #tpu.memory_space<hbm>> -> memref<64x26xf32, #tpu.memory_space<hbm>>
    %dma_start3A_21 = arith.constant 64 : i32
    %dma_start3A_22 = arith.constant 0 : i32
    %dma_start3A_23 = tpu.memref_slice %arg5[%dma_start3A_21, %dma_start3A_22] : memref<512x26xf32, #tpu.memory_space<vmem>> -> memref<64x26xf32, #tpu.memory_space<vmem>>
    %dma_start3A_24 = arith.constant 0 : i32
    %dma_start3A_25 = tpu.memref_slice %arg2[%add3A_15, %dma_start3A_24] : memref<16384x26xf32, #tpu.memory_space<hbm>> -> memref<64x26xf32, #tpu.memory_space<hbm>>
    tpu.enqueue_dma source(%dma_start3A_25 : memref<64x26xf32, #tpu.memory_space<hbm>>) target(%dma_start3A_23 : memref<64x26xf32, #tpu.memory_space<vmem>>) target_semaphore(%arg9 : memref<!tpu.dma_semaphore, #tpu.memory_space<semaphore_mem>>)
    %add3A_26 = arith.constant 128 : i32
    %add3A_27 = arith.addi %mul3A_2, %add3A_26 : i32
    %dma_start3A_28 = arith.constant 128 : i32
    %dma_start3A_29 = arith.constant 0 : i32
    %dma_start3A_30 = tpu.memref_slice %arg5[%dma_start3A_28, %dma_start3A_29] : memref<512x26xf32, #tpu.memory_space<vmem>> -> memref<128x26xf32, #tpu.memory_space<vmem>>
    %dma_start3A_31 = arith.constant 0 : i32
    %dma_start3A_32 = tpu.memref_slice %arg2[%add3A_27, %dma_start3A_31] : memref<16384x26xf32, #tpu.memory_space<hbm>> -> memref<128x26xf32, #tpu.memory_space<hbm>>
    %dma_start3A_33 = arith.constant 128 : i32
    %dma_start3A_34 = arith.constant 0 : i32
    %dma_start3A_35 = tpu.memref_slice %arg5[%dma_start3A_33, %dma_start3A_34] : memref<512x26xf32, #tpu.memory_space<vmem>> -> memref<128x26xf32, #tpu.memory_space<vmem>>
    %dma_start3A_36 = arith.constant 0 : i32
    %dma_start3A_37 = tpu.memref_slice %arg2[%add3A_27, %dma_start3A_36] : memref<16384x26xf32, #tpu.memory_space<hbm>> -> memref<128x26xf32, #tpu.memory_space<hbm>>
    tpu.enqueue_dma source(%dma_start3A_37 : memref<128x26xf32, #tpu.memory_space<hbm>>) target(%dma_start3A_35 : memref<128x26xf32, #tpu.memory_space<vmem>>) target_semaphore(%arg10 : memref<!tpu.dma_semaphore, #tpu.memory_space<semaphore_mem>>)
    %add3A_38 = arith.constant 256 : i32
    %add3A_39 = arith.addi %mul3A_2, %add3A_38 : i32
    %dma_start3A_40 = arith.constant 256 : i32
    %dma_start3A_41 = arith.constant 0 : i32
    %dma_start3A_42 = tpu.memref_slice %arg5[%dma_start3A_40, %dma_start3A_41] : memref<512x26xf32, #tpu.memory_space<vmem>> -> memref<256x26xf32, #tpu.memory_space<vmem>>
    %dma_start3A_43 = arith.constant 0 : i32
    %dma_start3A_44 = tpu.memref_slice %arg2[%add3A_39, %dma_start3A_43] : memref<16384x26xf32, #tpu.memory_space<hbm>> -> memref<256x26xf32, #tpu.memory_space<hbm>>
    %dma_start3A_45 = arith.constant 256 : i32
    %dma_start3A_46 = arith.constant 0 : i32
    %dma_start3A_47 = tpu.memref_slice %arg5[%dma_start3A_45, %dma_start3A_46] : memref<512x26xf32, #tpu.memory_space<vmem>> -> memref<256x26xf32, #tpu.memory_space<vmem>>
    %dma_start3A_48 = arith.constant 0 : i32
    %dma_start3A_49 = tpu.memref_slice %arg2[%add3A_39, %dma_start3A_48] : memref<16384x26xf32, #tpu.memory_space<hbm>> -> memref<256x26xf32, #tpu.memory_space<hbm>>
    tpu.enqueue_dma source(%dma_start3A_49 : memref<256x26xf32, #tpu.memory_space<hbm>>) target(%dma_start3A_47 : memref<256x26xf32, #tpu.memory_space<vmem>>) target_semaphore(%arg11 : memref<!tpu.dma_semaphore, #tpu.memory_space<semaphore_mem>>)
    "tpu.region"() ({
      %run_scoped3A = tpu.sem_alloc : memref<!tpu.dma_semaphore, #tpu.memory_space<semaphore_mem>>
      tpu.enqueue_dma source(%arg3 : memref<26xi32, #tpu.memory_space<hbm>>) target(%arg6 : memref<26xi32, #tpu.memory_space<vmem>>) target_semaphore(%run_scoped3A : memref<!tpu.dma_semaphore, #tpu.memory_space<semaphore_mem>>)
      tpu.wait_dma2 semaphore(%run_scoped3A : memref<!tpu.dma_semaphore, #tpu.memory_space<semaphore_mem>>) src(%arg3 : memref<26xi32, #tpu.memory_space<hbm>>) dst(%arg6 : memref<26xi32, #tpu.memory_space<vmem>>)
      tpu.yield
    }) : () -> ()
    %iota3A = tpu.iota {dimensions = array<i32: 0>} : vector<16xi32>
    %broadcast_in_dim3A = arith.constant 0 : i32
    %broadcast_in_dim3A_50 = vector.broadcast %broadcast_in_dim3A : i32 to vector<16xi32>
    %broadcast_in_dim3A_51 = arith.constant 1 : i32
    %broadcast_in_dim3A_52 = vector.broadcast %broadcast_in_dim3A_51 : i32 to vector<16xi32>
    %broadcast_in_dim3A_53 = arith.constant 2 : i32
    %broadcast_in_dim3A_54 = vector.broadcast %broadcast_in_dim3A_53 : i32 to vector<16xi32>
    %broadcast_in_dim3A_55 = arith.constant 3 : i32
    %broadcast_in_dim3A_56 = vector.broadcast %broadcast_in_dim3A_55 : i32 to vector<16xi32>
    %broadcast_in_dim3A_57 = arith.constant 4 : i32
    %broadcast_in_dim3A_58 = vector.broadcast %broadcast_in_dim3A_57 : i32 to vector<16xi32>
    %broadcast_in_dim3A_59 = arith.constant 5 : i32
    %broadcast_in_dim3A_60 = vector.broadcast %broadcast_in_dim3A_59 : i32 to vector<16xi32>
    %broadcast_in_dim3A_61 = arith.constant 6 : i32
    %broadcast_in_dim3A_62 = vector.broadcast %broadcast_in_dim3A_61 : i32 to vector<16xi32>
    %broadcast_in_dim3A_63 = arith.constant 7 : i32
    %broadcast_in_dim3A_64 = vector.broadcast %broadcast_in_dim3A_63 : i32 to vector<16xi32>
    %broadcast_in_dim3A_65 = arith.constant 8 : i32
    %broadcast_in_dim3A_66 = vector.broadcast %broadcast_in_dim3A_65 : i32 to vector<16xi32>
    %broadcast_in_dim3A_67 = arith.constant 9 : i32
    %broadcast_in_dim3A_68 = vector.broadcast %broadcast_in_dim3A_67 : i32 to vector<16xi32>
    %broadcast_in_dim3A_69 = arith.constant 10 : i32
    %broadcast_in_dim3A_70 = vector.broadcast %broadcast_in_dim3A_69 : i32 to vector<16xi32>
    %broadcast_in_dim3A_71 = arith.constant 11 : i32
    %broadcast_in_dim3A_72 = vector.broadcast %broadcast_in_dim3A_71 : i32 to vector<16xi32>
    %broadcast_in_dim3A_73 = arith.constant 12 : i32
    %broadcast_in_dim3A_74 = vector.broadcast %broadcast_in_dim3A_73 : i32 to vector<16xi32>
    %broadcast_in_dim3A_75 = arith.constant 13 : i32
    %broadcast_in_dim3A_76 = vector.broadcast %broadcast_in_dim3A_75 : i32 to vector<16xi32>
    %broadcast_in_dim3A_77 = arith.constant 14 : i32
    %broadcast_in_dim3A_78 = vector.broadcast %broadcast_in_dim3A_77 : i32 to vector<16xi32>
    %broadcast_in_dim3A_79 = arith.constant 15 : i32
    %broadcast_in_dim3A_80 = vector.broadcast %broadcast_in_dim3A_79 : i32 to vector<16xi32>
    %broadcast_in_dim3A_81 = arith.constant 16 : i32
    %broadcast_in_dim3A_82 = vector.broadcast %broadcast_in_dim3A_81 : i32 to vector<16xi32>
    %broadcast_in_dim3A_83 = arith.constant 17 : i32
    %broadcast_in_dim3A_84 = vector.broadcast %broadcast_in_dim3A_83 : i32 to vector<16xi32>
    %broadcast_in_dim3A_85 = arith.constant 18 : i32
    %broadcast_in_dim3A_86 = vector.broadcast %broadcast_in_dim3A_85 : i32 to vector<16xi32>
    %broadcast_in_dim3A_87 = arith.constant 19 : i32
    %broadcast_in_dim3A_88 = vector.broadcast %broadcast_in_dim3A_87 : i32 to vector<16xi32>
    %broadcast_in_dim3A_89 = arith.constant 20 : i32
    %broadcast_in_dim3A_90 = vector.broadcast %broadcast_in_dim3A_89 : i32 to vector<16xi32>
    %broadcast_in_dim3A_91 = arith.constant 21 : i32
    %broadcast_in_dim3A_92 = vector.broadcast %broadcast_in_dim3A_91 : i32 to vector<16xi32>
    %broadcast_in_dim3A_93 = arith.constant 22 : i32
    %broadcast_in_dim3A_94 = vector.broadcast %broadcast_in_dim3A_93 : i32 to vector<16xi32>
    %broadcast_in_dim3A_95 = arith.constant 23 : i32
    %broadcast_in_dim3A_96 = vector.broadcast %broadcast_in_dim3A_95 : i32 to vector<16xi32>
    %broadcast_in_dim3A_97 = arith.constant 24 : i32
    %broadcast_in_dim3A_98 = vector.broadcast %broadcast_in_dim3A_97 : i32 to vector<16xi32>
    %broadcast_in_dim3A_99 = arith.constant 25 : i32
    %broadcast_in_dim3A_100 = vector.broadcast %broadcast_in_dim3A_99 : i32 to vector<16xi32>
    %dma_wait3A = arith.constant 0 : i32
    %dma_wait3A_101 = arith.constant 0 : i32
    %dma_wait3A_102 = tpu.memref_slice %arg5[%dma_wait3A, %dma_wait3A_101] : memref<512x26xf32, #tpu.memory_space<vmem>> -> memref<64x26xf32, #tpu.memory_space<vmem>>
    %dma_wait3A_103 = arith.constant 0 : i32
    %dma_wait3A_104 = tpu.memref_slice %arg2[%add3A_4, %dma_wait3A_103] : memref<16384x26xf32, #tpu.memory_space<hbm>> -> memref<64x26xf32, #tpu.memory_space<hbm>>
    %dma_wait3A_105 = arith.constant 0 : i32
    %dma_wait3A_106 = arith.constant 0 : i32
    %dma_wait3A_107 = tpu.memref_slice %arg5[%dma_wait3A_105, %dma_wait3A_106] : memref<512x26xf32, #tpu.memory_space<vmem>> -> memref<64x26xf32, #tpu.memory_space<vmem>>
    %dma_wait3A_108 = arith.constant 0 : i32
    %dma_wait3A_109 = tpu.memref_slice %arg2[%add3A_4, %dma_wait3A_108] : memref<16384x26xf32, #tpu.memory_space<hbm>> -> memref<64x26xf32, #tpu.memory_space<hbm>>
    tpu.wait_dma2 semaphore(%arg8 : memref<!tpu.dma_semaphore, #tpu.memory_space<semaphore_mem>>) src(%dma_wait3A_109 : memref<64x26xf32, #tpu.memory_space<hbm>>) dst(%dma_wait3A_107 : memref<64x26xf32, #tpu.memory_space<vmem>>)
    %parallel_loop3A = arith.constant 0 : i32
    %parallel_loop3A_110 = arith.constant 4 : i32
    %parallel_loop3A_111 = arith.constant 1 : i32
    scf.for %parallel_loop3A_151 = %parallel_loop3A to %parallel_loop3A_110 step %parallel_loop3A_111  : i32 {
      %parallel_loop3A_152 = arith.constant 16 : i32
      %parallel_loop3A_153 = arith.muli %parallel_loop3A_151, %parallel_loop3A_152 : i32
      %parallel_loop3A_154 = vector.broadcast %parallel_loop3A_153 : i32 to vector<16xi32>
      %parallel_loop3A_155 = arith.addi %parallel_loop3A_154, %iota3A : vector<16xi32>
      %parallel_loop3A_156 = tpu.vector_load_idx %arg5[%parallel_loop3A_155, %broadcast_in_dim3A_50] : memref<512x26xf32, #tpu.memory_space<vmem>>[vector<16xi32>, vector<16xi32>], vector<16xf32>,
      %parallel_loop3A_157 = tpu.vector_load_idx %arg5[%parallel_loop3A_155, %broadcast_in_dim3A_52] : memref<512x26xf32, #tpu.memory_space<vmem>>[vector<16xi32>, vector<16xi32>], vector<16xf32>,
      %parallel_loop3A_158 = tpu.vector_load_idx %arg5[%parallel_loop3A_155, %broadcast_in_dim3A_54] : memref<512x26xf32, #tpu.memory_space<vmem>>[vector<16xi32>, vector<16xi32>], vector<16xf32>,
      %parallel_loop3A_159 = tpu.vector_load_idx %arg5[%parallel_loop3A_155, %broadcast_in_dim3A_56] : memref<512x26xf32, #tpu.memory_space<vmem>>[vector<16xi32>, vector<16xi32>], vector<16xf32>,
      %parallel_loop3A_160 = tpu.vector_load_idx %arg5[%parallel_loop3A_155, %broadcast_in_dim3A_58] : memref<512x26xf32, #tpu.memory_space<vmem>>[vector<16xi32>, vector<16xi32>], vector<16xf32>,
      %parallel_loop3A_161 = tpu.vector_load_idx %arg5[%parallel_loop3A_155, %broadcast_in_dim3A_60] : memref<512x26xf32, #tpu.memory_space<vmem>>[vector<16xi32>, vector<16xi32>], vector<16xf32>,
      %parallel_loop3A_162 = tpu.vector_load_idx %arg5[%parallel_loop3A_155, %broadcast_in_dim3A_62] : memref<512x26xf32, #tpu.memory_space<vmem>>[vector<16xi32>, vector<16xi32>], vector<16xf32>,
      %parallel_loop3A_163 = tpu.vector_load_idx %arg5[%parallel_loop3A_155, %broadcast_in_dim3A_64] : memref<512x26xf32, #tpu.memory_space<vmem>>[vector<16xi32>, vector<16xi32>], vector<16xf32>,
      %parallel_loop3A_164 = tpu.vector_load_idx %arg5[%parallel_loop3A_155, %broadcast_in_dim3A_66] : memref<512x26xf32, #tpu.memory_space<vmem>>[vector<16xi32>, vector<16xi32>], vector<16xf32>,
      %parallel_loop3A_165 = tpu.vector_load_idx %arg5[%parallel_loop3A_155, %broadcast_in_dim3A_68] : memref<512x26xf32, #tpu.memory_space<vmem>>[vector<16xi32>, vector<16xi32>], vector<16xf32>,
      %parallel_loop3A_166 = tpu.vector_load_idx %arg5[%parallel_loop3A_155, %broadcast_in_dim3A_70] : memref<512x26xf32, #tpu.memory_space<vmem>>[vector<16xi32>, vector<16xi32>], vector<16xf32>,
      %parallel_loop3A_167 = tpu.vector_load_idx %arg5[%parallel_loop3A_155, %broadcast_in_dim3A_72] : memref<512x26xf32, #tpu.memory_space<vmem>>[vector<16xi32>, vector<16xi32>], vector<16xf32>,
      %parallel_loop3A_168 = tpu.vector_load_idx %arg5[%parallel_loop3A_155, %broadcast_in_dim3A_74] : memref<512x26xf32, #tpu.memory_space<vmem>>[vector<16xi32>, vector<16xi32>], vector<16xf32>,
      %parallel_loop3A_169 = tpu.vector_load_idx %arg5[%parallel_loop3A_155, %broadcast_in_dim3A_76] : memref<512x26xf32, #tpu.memory_space<vmem>>[vector<16xi32>, vector<16xi32>], vector<16xf32>,
      %parallel_loop3A_170 = tpu.vector_load_idx %arg5[%parallel_loop3A_155, %broadcast_in_dim3A_78] : memref<512x26xf32, #tpu.memory_space<vmem>>[vector<16xi32>, vector<16xi32>], vector<16xf32>,
      %parallel_loop3A_171 = tpu.vector_load_idx %arg5[%parallel_loop3A_155, %broadcast_in_dim3A_80] : memref<512x26xf32, #tpu.memory_space<vmem>>[vector<16xi32>, vector<16xi32>], vector<16xf32>,
      %parallel_loop3A_172 = tpu.vector_load_idx %arg5[%parallel_loop3A_155, %broadcast_in_dim3A_82] : memref<512x26xf32, #tpu.memory_space<vmem>>[vector<16xi32>, vector<16xi32>], vector<16xf32>,
      %parallel_loop3A_173 = tpu.vector_load_idx %arg5[%parallel_loop3A_155, %broadcast_in_dim3A_84] : memref<512x26xf32, #tpu.memory_space<vmem>>[vector<16xi32>, vector<16xi32>], vector<16xf32>,
      %parallel_loop3A_174 = tpu.vector_load_idx %arg5[%parallel_loop3A_155, %broadcast_in_dim3A_86] : memref<512x26xf32, #tpu.memory_space<vmem>>[vector<16xi32>, vector<16xi32>], vector<16xf32>,
      %parallel_loop3A_175 = tpu.vector_load_idx %arg5[%parallel_loop3A_155, %broadcast_in_dim3A_88] : memref<512x26xf32, #tpu.memory_space<vmem>>[vector<16xi32>, vector<16xi32>], vector<16xf32>,
      %parallel_loop3A_176 = tpu.vector_load_idx %arg5[%parallel_loop3A_155, %broadcast_in_dim3A_90] : memref<512x26xf32, #tpu.memory_space<vmem>>[vector<16xi32>, vector<16xi32>], vector<16xf32>,
      %parallel_loop3A_177 = tpu.vector_load_idx %arg5[%parallel_loop3A_155, %broadcast_in_dim3A_92] : memref<512x26xf32, #tpu.memory_space<vmem>>[vector<16xi32>, vector<16xi32>], vector<16xf32>,
      %parallel_loop3A_178 = tpu.vector_load_idx %arg5[%parallel_loop3A_155, %broadcast_in_dim3A_94] : memref<512x26xf32, #tpu.memory_space<vmem>>[vector<16xi32>, vector<16xi32>], vector<16xf32>,
      %parallel_loop3A_179 = tpu.vector_load_idx %arg5[%parallel_loop3A_155, %broadcast_in_dim3A_96] : memref<512x26xf32, #tpu.memory_space<vmem>>[vector<16xi32>, vector<16xi32>], vector<16xf32>,
      %parallel_loop3A_180 = tpu.vector_load_idx %arg5[%parallel_loop3A_155, %broadcast_in_dim3A_98] : memref<512x26xf32, #tpu.memory_space<vmem>>[vector<16xi32>, vector<16xi32>], vector<16xf32>,
      %parallel_loop3A_181 = tpu.vector_load_idx %arg5[%parallel_loop3A_155, %broadcast_in_dim3A_100] : memref<512x26xf32, #tpu.memory_space<vmem>>[vector<16xi32>, vector<16xi32>], vector<16xf32>,
      %parallel_loop3A_182 = arith.cmpf ogt, %parallel_loop3A_157, %parallel_loop3A_156 : vector<16xf32>
      %parallel_loop3A_183 = arith.maximumf %parallel_loop3A_156, %parallel_loop3A_157 : vector<16xf32>
      %parallel_loop3A_184 = arith.select %parallel_loop3A_182, %broadcast_in_dim3A_52, %broadcast_in_dim3A_50 : vector<16xi1>, vector<16xi32>
      %parallel_loop3A_185 = arith.cmpf ogt, %parallel_loop3A_159, %parallel_loop3A_158 : vector<16xf32>
      %parallel_loop3A_186 = arith.maximumf %parallel_loop3A_158, %parallel_loop3A_159 : vector<16xf32>
      %parallel_loop3A_187 = arith.select %parallel_loop3A_185, %broadcast_in_dim3A_56, %broadcast_in_dim3A_54 : vector<16xi1>, vector<16xi32>
      %parallel_loop3A_188 = arith.cmpf ogt, %parallel_loop3A_161, %parallel_loop3A_160 : vector<16xf32>
      %parallel_loop3A_189 = arith.maximumf %parallel_loop3A_160, %parallel_loop3A_161 : vector<16xf32>
      %parallel_loop3A_190 = arith.select %parallel_loop3A_188, %broadcast_in_dim3A_60, %broadcast_in_dim3A_58 : vector<16xi1>, vector<16xi32>
      %parallel_loop3A_191 = arith.cmpf ogt, %parallel_loop3A_163, %parallel_loop3A_162 : vector<16xf32>
      %parallel_loop3A_192 = arith.maximumf %parallel_loop3A_162, %parallel_loop3A_163 : vector<16xf32>
      %parallel_loop3A_193 = arith.select %parallel_loop3A_191, %broadcast_in_dim3A_64, %broadcast_in_dim3A_62 : vector<16xi1>, vector<16xi32>
      %parallel_loop3A_194 = arith.cmpf ogt, %parallel_loop3A_165, %parallel_loop3A_164 : vector<16xf32>
      %parallel_loop3A_195 = arith.maximumf %parallel_loop3A_164, %parallel_loop3A_165 : vector<16xf32>
      %parallel_loop3A_196 = arith.select %parallel_loop3A_194, %broadcast_in_dim3A_68, %broadcast_in_dim3A_66 : vector<16xi1>, vector<16xi32>
      %parallel_loop3A_197 = arith.cmpf ogt, %parallel_loop3A_167, %parallel_loop3A_166 : vector<16xf32>
      %parallel_loop3A_198 = arith.maximumf %parallel_loop3A_166, %parallel_loop3A_167 : vector<16xf32>
      %parallel_loop3A_199 = arith.select %parallel_loop3A_197, %broadcast_in_dim3A_72, %broadcast_in_dim3A_70 : vector<16xi1>, vector<16xi32>
      %parallel_loop3A_200 = arith.cmpf ogt, %parallel_loop3A_169, %parallel_loop3A_168 : vector<16xf32>
      %parallel_loop3A_201 = arith.maximumf %parallel_loop3A_168, %parallel_loop3A_169 : vector<16xf32>
      %parallel_loop3A_202 = arith.select %parallel_loop3A_200, %broadcast_in_dim3A_76, %broadcast_in_dim3A_74 : vector<16xi1>, vector<16xi32>
      %parallel_loop3A_203 = arith.cmpf ogt, %parallel_loop3A_171, %parallel_loop3A_170 : vector<16xf32>
      %parallel_loop3A_204 = arith.maximumf %parallel_loop3A_170, %parallel_loop3A_171 : vector<16xf32>
      %parallel_loop3A_205 = arith.select %parallel_loop3A_203, %broadcast_in_dim3A_80, %broadcast_in_dim3A_78 : vector<16xi1>, vector<16xi32>
      %parallel_loop3A_206 = arith.cmpf ogt, %parallel_loop3A_173, %parallel_loop3A_172 : vector<16xf32>
      %parallel_loop3A_207 = arith.maximumf %parallel_loop3A_172, %parallel_loop3A_173 : vector<16xf32>
      %parallel_loop3A_208 = arith.select %parallel_loop3A_206, %broadcast_in_dim3A_84, %broadcast_in_dim3A_82 : vector<16xi1>, vector<16xi32>
      %parallel_loop3A_209 = arith.cmpf ogt, %parallel_loop3A_175, %parallel_loop3A_174 : vector<16xf32>
      %parallel_loop3A_210 = arith.maximumf %parallel_loop3A_174, %parallel_loop3A_175 : vector<16xf32>
      %parallel_loop3A_211 = arith.select %parallel_loop3A_209, %broadcast_in_dim3A_88, %broadcast_in_dim3A_86 : vector<16xi1>, vector<16xi32>
      %parallel_loop3A_212 = arith.cmpf ogt, %parallel_loop3A_177, %parallel_loop3A_176 : vector<16xf32>
      %parallel_loop3A_213 = arith.maximumf %parallel_loop3A_176, %parallel_loop3A_177 : vector<16xf32>
      %parallel_loop3A_214 = arith.select %parallel_loop3A_212, %broadcast_in_dim3A_92, %broadcast_in_dim3A_90 : vector<16xi1>, vector<16xi32>
      %parallel_loop3A_215 = arith.cmpf ogt, %parallel_loop3A_179, %parallel_loop3A_178 : vector<16xf32>
      %parallel_loop3A_216 = arith.maximumf %parallel_loop3A_178, %parallel_loop3A_179 : vector<16xf32>
      %parallel_loop3A_217 = arith.select %parallel_loop3A_215, %broadcast_in_dim3A_96, %broadcast_in_dim3A_94 : vector<16xi1>, vector<16xi32>
      %parallel_loop3A_218 = arith.cmpf ogt, %parallel_loop3A_181, %parallel_loop3A_180 : vector<16xf32>
      %parallel_loop3A_219 = arith.maximumf %parallel_loop3A_180, %parallel_loop3A_181 : vector<16xf32>
      %parallel_loop3A_220 = arith.select %parallel_loop3A_218, %broadcast_in_dim3A_100, %broadcast_in_dim3A_98 : vector<16xi1>, vector<16xi32>
      %parallel_loop3A_221 = arith.cmpf ogt, %parallel_loop3A_186, %parallel_loop3A_183 : vector<16xf32>
      %parallel_loop3A_222 = arith.maximumf %parallel_loop3A_183, %parallel_loop3A_186 : vector<16xf32>
      %parallel_loop3A_223 = arith.select %parallel_loop3A_221, %parallel_loop3A_187, %parallel_loop3A_184 : vector<16xi1>, vector<16xi32>
      %parallel_loop3A_224 = arith.cmpf ogt, %parallel_loop3A_192, %parallel_loop3A_189 : vector<16xf32>
      %parallel_loop3A_225 = arith.maximumf %parallel_loop3A_189, %parallel_loop3A_192 : vector<16xf32>
      %parallel_loop3A_226 = arith.select %parallel_loop3A_224, %parallel_loop3A_193, %parallel_loop3A_190 : vector<16xi1>, vector<16xi32>
      %parallel_loop3A_227 = arith.cmpf ogt, %parallel_loop3A_198, %parallel_loop3A_195 : vector<16xf32>
      %parallel_loop3A_228 = arith.maximumf %parallel_loop3A_195, %parallel_loop3A_198 : vector<16xf32>
      %parallel_loop3A_229 = arith.select %parallel_loop3A_227, %parallel_loop3A_199, %parallel_loop3A_196 : vector<16xi1>, vector<16xi32>
      %parallel_loop3A_230 = arith.cmpf ogt, %parallel_loop3A_204, %parallel_loop3A_201 : vector<16xf32>
      %parallel_loop3A_231 = arith.maximumf %parallel_loop3A_201, %parallel_loop3A_204 : vector<16xf32>
      %parallel_loop3A_232 = arith.select %parallel_loop3A_230, %parallel_loop3A_205, %parallel_loop3A_202 : vector<16xi1>, vector<16xi32>
      %parallel_loop3A_233 = arith.cmpf ogt, %parallel_loop3A_210, %parallel_loop3A_207 : vector<16xf32>
      %parallel_loop3A_234 = arith.maximumf %parallel_loop3A_207, %parallel_loop3A_210 : vector<16xf32>
      %parallel_loop3A_235 = arith.select %parallel_loop3A_233, %parallel_loop3A_211, %parallel_loop3A_208 : vector<16xi1>, vector<16xi32>
      %parallel_loop3A_236 = arith.cmpf ogt, %parallel_loop3A_216, %parallel_loop3A_213 : vector<16xf32>
      %parallel_loop3A_237 = arith.maximumf %parallel_loop3A_213, %parallel_loop3A_216 : vector<16xf32>
      %parallel_loop3A_238 = arith.select %parallel_loop3A_236, %parallel_loop3A_217, %parallel_loop3A_214 : vector<16xi1>, vector<16xi32>
      %parallel_loop3A_239 = arith.cmpf ogt, %parallel_loop3A_225, %parallel_loop3A_222 : vector<16xf32>
      %parallel_loop3A_240 = arith.maximumf %parallel_loop3A_222, %parallel_loop3A_225 : vector<16xf32>
      %parallel_loop3A_241 = arith.select %parallel_loop3A_239, %parallel_loop3A_226, %parallel_loop3A_223 : vector<16xi1>, vector<16xi32>
      %parallel_loop3A_242 = arith.cmpf ogt, %parallel_loop3A_231, %parallel_loop3A_228 : vector<16xf32>
      %parallel_loop3A_243 = arith.maximumf %parallel_loop3A_228, %parallel_loop3A_231 : vector<16xf32>
      %parallel_loop3A_244 = arith.select %parallel_loop3A_242, %parallel_loop3A_232, %parallel_loop3A_229 : vector<16xi1>, vector<16xi32>
      %parallel_loop3A_245 = arith.cmpf ogt, %parallel_loop3A_237, %parallel_loop3A_234 : vector<16xf32>
      %parallel_loop3A_246 = arith.maximumf %parallel_loop3A_234, %parallel_loop3A_237 : vector<16xf32>
      %parallel_loop3A_247 = arith.select %parallel_loop3A_245, %parallel_loop3A_238, %parallel_loop3A_235 : vector<16xi1>, vector<16xi32>
      %parallel_loop3A_248 = arith.cmpf ogt, %parallel_loop3A_243, %parallel_loop3A_240 : vector<16xf32>
      %parallel_loop3A_249 = arith.maximumf %parallel_loop3A_240, %parallel_loop3A_243 : vector<16xf32>
      %parallel_loop3A_250 = arith.select %parallel_loop3A_248, %parallel_loop3A_244, %parallel_loop3A_241 : vector<16xi1>, vector<16xi32>
      %parallel_loop3A_251 = arith.cmpf ogt, %parallel_loop3A_219, %parallel_loop3A_246 : vector<16xf32>
      %parallel_loop3A_252 = arith.maximumf %parallel_loop3A_246, %parallel_loop3A_219 : vector<16xf32>
      %parallel_loop3A_253 = arith.select %parallel_loop3A_251, %parallel_loop3A_220, %parallel_loop3A_247 : vector<16xi1>, vector<16xi32>
      %parallel_loop3A_254 = arith.cmpf ogt, %parallel_loop3A_252, %parallel_loop3A_249 : vector<16xf32>
      %parallel_loop3A_255 = arith.maximumf %parallel_loop3A_249, %parallel_loop3A_252 : vector<16xf32>
      %parallel_loop3A_256 = arith.select %parallel_loop3A_254, %parallel_loop3A_253, %parallel_loop3A_250 : vector<16xi1>, vector<16xi32>
      %parallel_loop3A_257 = tpu.vector_load_idx %arg6[%parallel_loop3A_256] : memref<26xi32, #tpu.memory_space<vmem>>[vector<16xi32>], vector<16xi32>,
      %parallel_loop3A_258 = arith.constant 16 : i32
      %parallel_loop3A_259 = arith.muli %parallel_loop3A_151, %parallel_loop3A_258 : i32
      %parallel_loop3A_260 = arith.index_cast %parallel_loop3A_259 : i32 to index
      %parallel_loop3A_261 = tpu.vector_load %arg7[%parallel_loop3A_260] {strides = array<i32>} : memref<512xi32, #tpu.memory_space<vmem>>, vector<16xi32>,
      tpu.vector_store %arg7[%parallel_loop3A_260], %parallel_loop3A_257 {strides = array<i32>} : memref<512xi32, #tpu.memory_space<vmem>>, vector<16xi32>,
    } {sc.loop_unroll_factor = 2 : i64, sc.parallel_access}
    %dma_wait3A_112 = arith.constant 64 : i32
    %dma_wait3A_113 = arith.constant 0 : i32
    %dma_wait3A_114 = tpu.memref_slice %arg5[%dma_wait3A_112, %dma_wait3A_113] : memref<512x26xf32, #tpu.memory_space<vmem>> -> memref<64x26xf32, #tpu.memory_space<vmem>>
    %dma_wait3A_115 = arith.constant 0 : i32
    %dma_wait3A_116 = tpu.memref_slice %arg2[%add3A_15, %dma_wait3A_115] : memref<16384x26xf32, #tpu.memory_space<hbm>> -> memref<64x26xf32, #tpu.memory_space<hbm>>
    %dma_wait3A_117 = arith.constant 64 : i32
    %dma_wait3A_118 = arith.constant 0 : i32
    %dma_wait3A_119 = tpu.memref_slice %arg5[%dma_wait3A_117, %dma_wait3A_118] : memref<512x26xf32, #tpu.memory_space<vmem>> -> memref<64x26xf32, #tpu.memory_space<vmem>>
    %dma_wait3A_120 = arith.constant 0 : i32
    %dma_wait3A_121 = tpu.memref_slice %arg2[%add3A_15, %dma_wait3A_120] : memref<16384x26xf32, #tpu.memory_space<hbm>> -> memref<64x26xf32, #tpu.memory_space<hbm>>
    tpu.wait_dma2 semaphore(%arg9 : memref<!tpu.dma_semaphore, #tpu.memory_space<semaphore_mem>>) src(%dma_wait3A_121 : memref<64x26xf32, #tpu.memory_space<hbm>>) dst(%dma_wait3A_119 : memref<64x26xf32, #tpu.memory_space<vmem>>)
    %parallel_loop3A_122 = arith.constant 4 : i32
    %parallel_loop3A_123 = arith.constant 8 : i32
    %parallel_loop3A_124 = arith.constant 1 : i32
    scf.for %parallel_loop3A_151 = %parallel_loop3A_122 to %parallel_loop3A_123 step %parallel_loop3A_124  : i32 {
      %parallel_loop3A_152 = arith.constant 16 : i32
      %parallel_loop3A_153 = arith.muli %parallel_loop3A_151, %parallel_loop3A_152 : i32
      %parallel_loop3A_154 = vector.broadcast %parallel_loop3A_153 : i32 to vector<16xi32>
      %parallel_loop3A_155 = arith.addi %parallel_loop3A_154, %iota3A : vector<16xi32>
      %parallel_loop3A_156 = tpu.vector_load_idx %arg5[%parallel_loop3A_155, %broadcast_in_dim3A_50] : memref<512x26xf32, #tpu.memory_space<vmem>>[vector<16xi32>, vector<16xi32>], vector<16xf32>,
      %parallel_loop3A_157 = tpu.vector_load_idx %arg5[%parallel_loop3A_155, %broadcast_in_dim3A_52] : memref<512x26xf32, #tpu.memory_space<vmem>>[vector<16xi32>, vector<16xi32>], vector<16xf32>,
      %parallel_loop3A_158 = tpu.vector_load_idx %arg5[%parallel_loop3A_155, %broadcast_in_dim3A_54] : memref<512x26xf32, #tpu.memory_space<vmem>>[vector<16xi32>, vector<16xi32>], vector<16xf32>,
      %parallel_loop3A_159 = tpu.vector_load_idx %arg5[%parallel_loop3A_155, %broadcast_in_dim3A_56] : memref<512x26xf32, #tpu.memory_space<vmem>>[vector<16xi32>, vector<16xi32>], vector<16xf32>,
      %parallel_loop3A_160 = tpu.vector_load_idx %arg5[%parallel_loop3A_155, %broadcast_in_dim3A_58] : memref<512x26xf32, #tpu.memory_space<vmem>>[vector<16xi32>, vector<16xi32>], vector<16xf32>,
      %parallel_loop3A_161 = tpu.vector_load_idx %arg5[%parallel_loop3A_155, %broadcast_in_dim3A_60] : memref<512x26xf32, #tpu.memory_space<vmem>>[vector<16xi32>, vector<16xi32>], vector<16xf32>,
      %parallel_loop3A_162 = tpu.vector_load_idx %arg5[%parallel_loop3A_155, %broadcast_in_dim3A_62] : memref<512x26xf32, #tpu.memory_space<vmem>>[vector<16xi32>, vector<16xi32>], vector<16xf32>,
      %parallel_loop3A_163 = tpu.vector_load_idx %arg5[%parallel_loop3A_155, %broadcast_in_dim3A_64] : memref<512x26xf32, #tpu.memory_space<vmem>>[vector<16xi32>, vector<16xi32>], vector<16xf32>,
      %parallel_loop3A_164 = tpu.vector_load_idx %arg5[%parallel_loop3A_155, %broadcast_in_dim3A_66] : memref<512x26xf32, #tpu.memory_space<vmem>>[vector<16xi32>, vector<16xi32>], vector<16xf32>,
      %parallel_loop3A_165 = tpu.vector_load_idx %arg5[%parallel_loop3A_155, %broadcast_in_dim3A_68] : memref<512x26xf32, #tpu.memory_space<vmem>>[vector<16xi32>, vector<16xi32>], vector<16xf32>,
      %parallel_loop3A_166 = tpu.vector_load_idx %arg5[%parallel_loop3A_155, %broadcast_in_dim3A_70] : memref<512x26xf32, #tpu.memory_space<vmem>>[vector<16xi32>, vector<16xi32>], vector<16xf32>,
      %parallel_loop3A_167 = tpu.vector_load_idx %arg5[%parallel_loop3A_155, %broadcast_in_dim3A_72] : memref<512x26xf32, #tpu.memory_space<vmem>>[vector<16xi32>, vector<16xi32>], vector<16xf32>,
      %parallel_loop3A_168 = tpu.vector_load_idx %arg5[%parallel_loop3A_155, %broadcast_in_dim3A_74] : memref<512x26xf32, #tpu.memory_space<vmem>>[vector<16xi32>, vector<16xi32>], vector<16xf32>,
      %parallel_loop3A_169 = tpu.vector_load_idx %arg5[%parallel_loop3A_155, %broadcast_in_dim3A_76] : memref<512x26xf32, #tpu.memory_space<vmem>>[vector<16xi32>, vector<16xi32>], vector<16xf32>,
      %parallel_loop3A_170 = tpu.vector_load_idx %arg5[%parallel_loop3A_155, %broadcast_in_dim3A_78] : memref<512x26xf32, #tpu.memory_space<vmem>>[vector<16xi32>, vector<16xi32>], vector<16xf32>,
      %parallel_loop3A_171 = tpu.vector_load_idx %arg5[%parallel_loop3A_155, %broadcast_in_dim3A_80] : memref<512x26xf32, #tpu.memory_space<vmem>>[vector<16xi32>, vector<16xi32>], vector<16xf32>,
      %parallel_loop3A_172 = tpu.vector_load_idx %arg5[%parallel_loop3A_155, %broadcast_in_dim3A_82] : memref<512x26xf32, #tpu.memory_space<vmem>>[vector<16xi32>, vector<16xi32>], vector<16xf32>,
      %parallel_loop3A_173 = tpu.vector_load_idx %arg5[%parallel_loop3A_155, %broadcast_in_dim3A_84] : memref<512x26xf32, #tpu.memory_space<vmem>>[vector<16xi32>, vector<16xi32>], vector<16xf32>,
      %parallel_loop3A_174 = tpu.vector_load_idx %arg5[%parallel_loop3A_155, %broadcast_in_dim3A_86] : memref<512x26xf32, #tpu.memory_space<vmem>>[vector<16xi32>, vector<16xi32>], vector<16xf32>,
      %parallel_loop3A_175 = tpu.vector_load_idx %arg5[%parallel_loop3A_155, %broadcast_in_dim3A_88] : memref<512x26xf32, #tpu.memory_space<vmem>>[vector<16xi32>, vector<16xi32>], vector<16xf32>,
      %parallel_loop3A_176 = tpu.vector_load_idx %arg5[%parallel_loop3A_155, %broadcast_in_dim3A_90] : memref<512x26xf32, #tpu.memory_space<vmem>>[vector<16xi32>, vector<16xi32>], vector<16xf32>,
      %parallel_loop3A_177 = tpu.vector_load_idx %arg5[%parallel_loop3A_155, %broadcast_in_dim3A_92] : memref<512x26xf32, #tpu.memory_space<vmem>>[vector<16xi32>, vector<16xi32>], vector<16xf32>,
      %parallel_loop3A_178 = tpu.vector_load_idx %arg5[%parallel_loop3A_155, %broadcast_in_dim3A_94] : memref<512x26xf32, #tpu.memory_space<vmem>>[vector<16xi32>, vector<16xi32>], vector<16xf32>,
      %parallel_loop3A_179 = tpu.vector_load_idx %arg5[%parallel_loop3A_155, %broadcast_in_dim3A_96] : memref<512x26xf32, #tpu.memory_space<vmem>>[vector<16xi32>, vector<16xi32>], vector<16xf32>,
      %parallel_loop3A_180 = tpu.vector_load_idx %arg5[%parallel_loop3A_155, %broadcast_in_dim3A_98] : memref<512x26xf32, #tpu.memory_space<vmem>>[vector<16xi32>, vector<16xi32>], vector<16xf32>,
      %parallel_loop3A_181 = tpu.vector_load_idx %arg5[%parallel_loop3A_155, %broadcast_in_dim3A_100] : memref<512x26xf32, #tpu.memory_space<vmem>>[vector<16xi32>, vector<16xi32>], vector<16xf32>,
      %parallel_loop3A_182 = arith.cmpf ogt, %parallel_loop3A_157, %parallel_loop3A_156 : vector<16xf32>
      %parallel_loop3A_183 = arith.maximumf %parallel_loop3A_156, %parallel_loop3A_157 : vector<16xf32>
      %parallel_loop3A_184 = arith.select %parallel_loop3A_182, %broadcast_in_dim3A_52, %broadcast_in_dim3A_50 : vector<16xi1>, vector<16xi32>
      %parallel_loop3A_185 = arith.cmpf ogt, %parallel_loop3A_159, %parallel_loop3A_158 : vector<16xf32>
      %parallel_loop3A_186 = arith.maximumf %parallel_loop3A_158, %parallel_loop3A_159 : vector<16xf32>
      %parallel_loop3A_187 = arith.select %parallel_loop3A_185, %broadcast_in_dim3A_56, %broadcast_in_dim3A_54 : vector<16xi1>, vector<16xi32>
      %parallel_loop3A_188 = arith.cmpf ogt, %parallel_loop3A_161, %parallel_loop3A_160 : vector<16xf32>
      %parallel_loop3A_189 = arith.maximumf %parallel_loop3A_160, %parallel_loop3A_161 : vector<16xf32>
      %parallel_loop3A_190 = arith.select %parallel_loop3A_188, %broadcast_in_dim3A_60, %broadcast_in_dim3A_58 : vector<16xi1>, vector<16xi32>
      %parallel_loop3A_191 = arith.cmpf ogt, %parallel_loop3A_163, %parallel_loop3A_162 : vector<16xf32>
      %parallel_loop3A_192 = arith.maximumf %parallel_loop3A_162, %parallel_loop3A_163 : vector<16xf32>
      %parallel_loop3A_193 = arith.select %parallel_loop3A_191, %broadcast_in_dim3A_64, %broadcast_in_dim3A_62 : vector<16xi1>, vector<16xi32>
      %parallel_loop3A_194 = arith.cmpf ogt, %parallel_loop3A_165, %parallel_loop3A_164 : vector<16xf32>
      %parallel_loop3A_195 = arith.maximumf %parallel_loop3A_164, %parallel_loop3A_165 : vector<16xf32>
      %parallel_loop3A_196 = arith.select %parallel_loop3A_194, %broadcast_in_dim3A_68, %broadcast_in_dim3A_66 : vector<16xi1>, vector<16xi32>
      %parallel_loop3A_197 = arith.cmpf ogt, %parallel_loop3A_167, %parallel_loop3A_166 : vector<16xf32>
      %parallel_loop3A_198 = arith.maximumf %parallel_loop3A_166, %parallel_loop3A_167 : vector<16xf32>
      %parallel_loop3A_199 = arith.select %parallel_loop3A_197, %broadcast_in_dim3A_72, %broadcast_in_dim3A_70 : vector<16xi1>, vector<16xi32>
      %parallel_loop3A_200 = arith.cmpf ogt, %parallel_loop3A_169, %parallel_loop3A_168 : vector<16xf32>
      %parallel_loop3A_201 = arith.maximumf %parallel_loop3A_168, %parallel_loop3A_169 : vector<16xf32>
      %parallel_loop3A_202 = arith.select %parallel_loop3A_200, %broadcast_in_dim3A_76, %broadcast_in_dim3A_74 : vector<16xi1>, vector<16xi32>
      %parallel_loop3A_203 = arith.cmpf ogt, %parallel_loop3A_171, %parallel_loop3A_170 : vector<16xf32>
      %parallel_loop3A_204 = arith.maximumf %parallel_loop3A_170, %parallel_loop3A_171 : vector<16xf32>
      %parallel_loop3A_205 = arith.select %parallel_loop3A_203, %broadcast_in_dim3A_80, %broadcast_in_dim3A_78 : vector<16xi1>, vector<16xi32>
      %parallel_loop3A_206 = arith.cmpf ogt, %parallel_loop3A_173, %parallel_loop3A_172 : vector<16xf32>
      %parallel_loop3A_207 = arith.maximumf %parallel_loop3A_172, %parallel_loop3A_173 : vector<16xf32>
      %parallel_loop3A_208 = arith.select %parallel_loop3A_206, %broadcast_in_dim3A_84, %broadcast_in_dim3A_82 : vector<16xi1>, vector<16xi32>
      %parallel_loop3A_209 = arith.cmpf ogt, %parallel_loop3A_175, %parallel_loop3A_174 : vector<16xf32>
      %parallel_loop3A_210 = arith.maximumf %parallel_loop3A_174, %parallel_loop3A_175 : vector<16xf32>
      %parallel_loop3A_211 = arith.select %parallel_loop3A_209, %broadcast_in_dim3A_88, %broadcast_in_dim3A_86 : vector<16xi1>, vector<16xi32>
      %parallel_loop3A_212 = arith.cmpf ogt, %parallel_loop3A_177, %parallel_loop3A_176 : vector<16xf32>
      %parallel_loop3A_213 = arith.maximumf %parallel_loop3A_176, %parallel_loop3A_177 : vector<16xf32>
      %parallel_loop3A_214 = arith.select %parallel_loop3A_212, %broadcast_in_dim3A_92, %broadcast_in_dim3A_90 : vector<16xi1>, vector<16xi32>
      %parallel_loop3A_215 = arith.cmpf ogt, %parallel_loop3A_179, %parallel_loop3A_178 : vector<16xf32>
      %parallel_loop3A_216 = arith.maximumf %parallel_loop3A_178, %parallel_loop3A_179 : vector<16xf32>
      %parallel_loop3A_217 = arith.select %parallel_loop3A_215, %broadcast_in_dim3A_96, %broadcast_in_dim3A_94 : vector<16xi1>, vector<16xi32>
      %parallel_loop3A_218 = arith.cmpf ogt, %parallel_loop3A_181, %parallel_loop3A_180 : vector<16xf32>
      %parallel_loop3A_219 = arith.maximumf %parallel_loop3A_180, %parallel_loop3A_181 : vector<16xf32>
      %parallel_loop3A_220 = arith.select %parallel_loop3A_218, %broadcast_in_dim3A_100, %broadcast_in_dim3A_98 : vector<16xi1>, vector<16xi32>
      %parallel_loop3A_221 = arith.cmpf ogt, %parallel_loop3A_186, %parallel_loop3A_183 : vector<16xf32>
      %parallel_loop3A_222 = arith.maximumf %parallel_loop3A_183, %parallel_loop3A_186 : vector<16xf32>
      %parallel_loop3A_223 = arith.select %parallel_loop3A_221, %parallel_loop3A_187, %parallel_loop3A_184 : vector<16xi1>, vector<16xi32>
      %parallel_loop3A_224 = arith.cmpf ogt, %parallel_loop3A_192, %parallel_loop3A_189 : vector<16xf32>
      %parallel_loop3A_225 = arith.maximumf %parallel_loop3A_189, %parallel_loop3A_192 : vector<16xf32>
      %parallel_loop3A_226 = arith.select %parallel_loop3A_224, %parallel_loop3A_193, %parallel_loop3A_190 : vector<16xi1>, vector<16xi32>
      %parallel_loop3A_227 = arith.cmpf ogt, %parallel_loop3A_198, %parallel_loop3A_195 : vector<16xf32>
      %parallel_loop3A_228 = arith.maximumf %parallel_loop3A_195, %parallel_loop3A_198 : vector<16xf32>
      %parallel_loop3A_229 = arith.select %parallel_loop3A_227, %parallel_loop3A_199, %parallel_loop3A_196 : vector<16xi1>, vector<16xi32>
      %parallel_loop3A_230 = arith.cmpf ogt, %parallel_loop3A_204, %parallel_loop3A_201 : vector<16xf32>
      %parallel_loop3A_231 = arith.maximumf %parallel_loop3A_201, %parallel_loop3A_204 : vector<16xf32>
      %parallel_loop3A_232 = arith.select %parallel_loop3A_230, %parallel_loop3A_205, %parallel_loop3A_202 : vector<16xi1>, vector<16xi32>
      %parallel_loop3A_233 = arith.cmpf ogt, %parallel_loop3A_210, %parallel_loop3A_207 : vector<16xf32>
      %parallel_loop3A_234 = arith.maximumf %parallel_loop3A_207, %parallel_loop3A_210 : vector<16xf32>
      %parallel_loop3A_235 = arith.select %parallel_loop3A_233, %parallel_loop3A_211, %parallel_loop3A_208 : vector<16xi1>, vector<16xi32>
      %parallel_loop3A_236 = arith.cmpf ogt, %parallel_loop3A_216, %parallel_loop3A_213 : vector<16xf32>
      %parallel_loop3A_237 = arith.maximumf %parallel_loop3A_213, %parallel_loop3A_216 : vector<16xf32>
      %parallel_loop3A_238 = arith.select %parallel_loop3A_236, %parallel_loop3A_217, %parallel_loop3A_214 : vector<16xi1>, vector<16xi32>
      %parallel_loop3A_239 = arith.cmpf ogt, %parallel_loop3A_225, %parallel_loop3A_222 : vector<16xf32>
      %parallel_loop3A_240 = arith.maximumf %parallel_loop3A_222, %parallel_loop3A_225 : vector<16xf32>
      %parallel_loop3A_241 = arith.select %parallel_loop3A_239, %parallel_loop3A_226, %parallel_loop3A_223 : vector<16xi1>, vector<16xi32>
      %parallel_loop3A_242 = arith.cmpf ogt, %parallel_loop3A_231, %parallel_loop3A_228 : vector<16xf32>
      %parallel_loop3A_243 = arith.maximumf %parallel_loop3A_228, %parallel_loop3A_231 : vector<16xf32>
      %parallel_loop3A_244 = arith.select %parallel_loop3A_242, %parallel_loop3A_232, %parallel_loop3A_229 : vector<16xi1>, vector<16xi32>
      %parallel_loop3A_245 = arith.cmpf ogt, %parallel_loop3A_237, %parallel_loop3A_234 : vector<16xf32>
      %parallel_loop3A_246 = arith.maximumf %parallel_loop3A_234, %parallel_loop3A_237 : vector<16xf32>
      %parallel_loop3A_247 = arith.select %parallel_loop3A_245, %parallel_loop3A_238, %parallel_loop3A_235 : vector<16xi1>, vector<16xi32>
      %parallel_loop3A_248 = arith.cmpf ogt, %parallel_loop3A_243, %parallel_loop3A_240 : vector<16xf32>
      %parallel_loop3A_249 = arith.maximumf %parallel_loop3A_240, %parallel_loop3A_243 : vector<16xf32>
      %parallel_loop3A_250 = arith.select %parallel_loop3A_248, %parallel_loop3A_244, %parallel_loop3A_241 : vector<16xi1>, vector<16xi32>
      %parallel_loop3A_251 = arith.cmpf ogt, %parallel_loop3A_219, %parallel_loop3A_246 : vector<16xf32>
      %parallel_loop3A_252 = arith.maximumf %parallel_loop3A_246, %parallel_loop3A_219 : vector<16xf32>
      %parallel_loop3A_253 = arith.select %parallel_loop3A_251, %parallel_loop3A_220, %parallel_loop3A_247 : vector<16xi1>, vector<16xi32>
      %parallel_loop3A_254 = arith.cmpf ogt, %parallel_loop3A_252, %parallel_loop3A_249 : vector<16xf32>
      %parallel_loop3A_255 = arith.maximumf %parallel_loop3A_249, %parallel_loop3A_252 : vector<16xf32>
      %parallel_loop3A_256 = arith.select %parallel_loop3A_254, %parallel_loop3A_253, %parallel_loop3A_250 : vector<16xi1>, vector<16xi32>
      %parallel_loop3A_257 = tpu.vector_load_idx %arg6[%parallel_loop3A_256] : memref<26xi32, #tpu.memory_space<vmem>>[vector<16xi32>], vector<16xi32>,
      %parallel_loop3A_258 = arith.constant 16 : i32
      %parallel_loop3A_259 = arith.muli %parallel_loop3A_151, %parallel_loop3A_258 : i32
      %parallel_loop3A_260 = arith.index_cast %parallel_loop3A_259 : i32 to index
      %parallel_loop3A_261 = tpu.vector_load %arg7[%parallel_loop3A_260] {strides = array<i32>} : memref<512xi32, #tpu.memory_space<vmem>>, vector<16xi32>,
      tpu.vector_store %arg7[%parallel_loop3A_260], %parallel_loop3A_257 {strides = array<i32>} : memref<512xi32, #tpu.memory_space<vmem>>, vector<16xi32>,
    } {sc.loop_unroll_factor = 2 : i64, sc.parallel_access}
    %dma_wait3A_125 = arith.constant 128 : i32
    %dma_wait3A_126 = arith.constant 0 : i32
    %dma_wait3A_127 = tpu.memref_slice %arg5[%dma_wait3A_125, %dma_wait3A_126] : memref<512x26xf32, #tpu.memory_space<vmem>> -> memref<128x26xf32, #tpu.memory_space<vmem>>
    %dma_wait3A_128 = arith.constant 0 : i32
    %dma_wait3A_129 = tpu.memref_slice %arg2[%add3A_27, %dma_wait3A_128] : memref<16384x26xf32, #tpu.memory_space<hbm>> -> memref<128x26xf32, #tpu.memory_space<hbm>>
    %dma_wait3A_130 = arith.constant 128 : i32
    %dma_wait3A_131 = arith.constant 0 : i32
    %dma_wait3A_132 = tpu.memref_slice %arg5[%dma_wait3A_130, %dma_wait3A_131] : memref<512x26xf32, #tpu.memory_space<vmem>> -> memref<128x26xf32, #tpu.memory_space<vmem>>
    %dma_wait3A_133 = arith.constant 0 : i32
    %dma_wait3A_134 = tpu.memref_slice %arg2[%add3A_27, %dma_wait3A_133] : memref<16384x26xf32, #tpu.memory_space<hbm>> -> memref<128x26xf32, #tpu.memory_space<hbm>>
    tpu.wait_dma2 semaphore(%arg10 : memref<!tpu.dma_semaphore, #tpu.memory_space<semaphore_mem>>) src(%dma_wait3A_134 : memref<128x26xf32, #tpu.memory_space<hbm>>) dst(%dma_wait3A_132 : memref<128x26xf32, #tpu.memory_space<vmem>>)
    %parallel_loop3A_135 = arith.constant 8 : i32
    %parallel_loop3A_136 = arith.constant 16 : i32
    %parallel_loop3A_137 = arith.constant 1 : i32
    scf.for %parallel_loop3A_151 = %parallel_loop3A_135 to %parallel_loop3A_136 step %parallel_loop3A_137  : i32 {
      %parallel_loop3A_152 = arith.constant 16 : i32
      %parallel_loop3A_153 = arith.muli %parallel_loop3A_151, %parallel_loop3A_152 : i32
      %parallel_loop3A_154 = vector.broadcast %parallel_loop3A_153 : i32 to vector<16xi32>
      %parallel_loop3A_155 = arith.addi %parallel_loop3A_154, %iota3A : vector<16xi32>
      %parallel_loop3A_156 = tpu.vector_load_idx %arg5[%parallel_loop3A_155, %broadcast_in_dim3A_50] : memref<512x26xf32, #tpu.memory_space<vmem>>[vector<16xi32>, vector<16xi32>], vector<16xf32>,
      %parallel_loop3A_157 = tpu.vector_load_idx %arg5[%parallel_loop3A_155, %broadcast_in_dim3A_52] : memref<512x26xf32, #tpu.memory_space<vmem>>[vector<16xi32>, vector<16xi32>], vector<16xf32>,
      %parallel_loop3A_158 = tpu.vector_load_idx %arg5[%parallel_loop3A_155, %broadcast_in_dim3A_54] : memref<512x26xf32, #tpu.memory_space<vmem>>[vector<16xi32>, vector<16xi32>], vector<16xf32>,
      %parallel_loop3A_159 = tpu.vector_load_idx %arg5[%parallel_loop3A_155, %broadcast_in_dim3A_56] : memref<512x26xf32, #tpu.memory_space<vmem>>[vector<16xi32>, vector<16xi32>], vector<16xf32>,
      %parallel_loop3A_160 = tpu.vector_load_idx %arg5[%parallel_loop3A_155, %broadcast_in_dim3A_58] : memref<512x26xf32, #tpu.memory_space<vmem>>[vector<16xi32>, vector<16xi32>], vector<16xf32>,
      %parallel_loop3A_161 = tpu.vector_load_idx %arg5[%parallel_loop3A_155, %broadcast_in_dim3A_60] : memref<512x26xf32, #tpu.memory_space<vmem>>[vector<16xi32>, vector<16xi32>], vector<16xf32>,
      %parallel_loop3A_162 = tpu.vector_load_idx %arg5[%parallel_loop3A_155, %broadcast_in_dim3A_62] : memref<512x26xf32, #tpu.memory_space<vmem>>[vector<16xi32>, vector<16xi32>], vector<16xf32>,
      %parallel_loop3A_163 = tpu.vector_load_idx %arg5[%parallel_loop3A_155, %broadcast_in_dim3A_64] : memref<512x26xf32, #tpu.memory_space<vmem>>[vector<16xi32>, vector<16xi32>], vector<16xf32>,
      %parallel_loop3A_164 = tpu.vector_load_idx %arg5[%parallel_loop3A_155, %broadcast_in_dim3A_66] : memref<512x26xf32, #tpu.memory_space<vmem>>[vector<16xi32>, vector<16xi32>], vector<16xf32>,
      %parallel_loop3A_165 = tpu.vector_load_idx %arg5[%parallel_loop3A_155, %broadcast_in_dim3A_68] : memref<512x26xf32, #tpu.memory_space<vmem>>[vector<16xi32>, vector<16xi32>], vector<16xf32>,
      %parallel_loop3A_166 = tpu.vector_load_idx %arg5[%parallel_loop3A_155, %broadcast_in_dim3A_70] : memref<512x26xf32, #tpu.memory_space<vmem>>[vector<16xi32>, vector<16xi32>], vector<16xf32>,
      %parallel_loop3A_167 = tpu.vector_load_idx %arg5[%parallel_loop3A_155, %broadcast_in_dim3A_72] : memref<512x26xf32, #tpu.memory_space<vmem>>[vector<16xi32>, vector<16xi32>], vector<16xf32>,
      %parallel_loop3A_168 = tpu.vector_load_idx %arg5[%parallel_loop3A_155, %broadcast_in_dim3A_74] : memref<512x26xf32, #tpu.memory_space<vmem>>[vector<16xi32>, vector<16xi32>], vector<16xf32>,
      %parallel_loop3A_169 = tpu.vector_load_idx %arg5[%parallel_loop3A_155, %broadcast_in_dim3A_76] : memref<512x26xf32, #tpu.memory_space<vmem>>[vector<16xi32>, vector<16xi32>], vector<16xf32>,
      %parallel_loop3A_170 = tpu.vector_load_idx %arg5[%parallel_loop3A_155, %broadcast_in_dim3A_78] : memref<512x26xf32, #tpu.memory_space<vmem>>[vector<16xi32>, vector<16xi32>], vector<16xf32>,
      %parallel_loop3A_171 = tpu.vector_load_idx %arg5[%parallel_loop3A_155, %broadcast_in_dim3A_80] : memref<512x26xf32, #tpu.memory_space<vmem>>[vector<16xi32>, vector<16xi32>], vector<16xf32>,
      %parallel_loop3A_172 = tpu.vector_load_idx %arg5[%parallel_loop3A_155, %broadcast_in_dim3A_82] : memref<512x26xf32, #tpu.memory_space<vmem>>[vector<16xi32>, vector<16xi32>], vector<16xf32>,
      %parallel_loop3A_173 = tpu.vector_load_idx %arg5[%parallel_loop3A_155, %broadcast_in_dim3A_84] : memref<512x26xf32, #tpu.memory_space<vmem>>[vector<16xi32>, vector<16xi32>], vector<16xf32>,
      %parallel_loop3A_174 = tpu.vector_load_idx %arg5[%parallel_loop3A_155, %broadcast_in_dim3A_86] : memref<512x26xf32, #tpu.memory_space<vmem>>[vector<16xi32>, vector<16xi32>], vector<16xf32>,
      %parallel_loop3A_175 = tpu.vector_load_idx %arg5[%parallel_loop3A_155, %broadcast_in_dim3A_88] : memref<512x26xf32, #tpu.memory_space<vmem>>[vector<16xi32>, vector<16xi32>], vector<16xf32>,
      %parallel_loop3A_176 = tpu.vector_load_idx %arg5[%parallel_loop3A_155, %broadcast_in_dim3A_90] : memref<512x26xf32, #tpu.memory_space<vmem>>[vector<16xi32>, vector<16xi32>], vector<16xf32>,
      %parallel_loop3A_177 = tpu.vector_load_idx %arg5[%parallel_loop3A_155, %broadcast_in_dim3A_92] : memref<512x26xf32, #tpu.memory_space<vmem>>[vector<16xi32>, vector<16xi32>], vector<16xf32>,
      %parallel_loop3A_178 = tpu.vector_load_idx %arg5[%parallel_loop3A_155, %broadcast_in_dim3A_94] : memref<512x26xf32, #tpu.memory_space<vmem>>[vector<16xi32>, vector<16xi32>], vector<16xf32>,
      %parallel_loop3A_179 = tpu.vector_load_idx %arg5[%parallel_loop3A_155, %broadcast_in_dim3A_96] : memref<512x26xf32, #tpu.memory_space<vmem>>[vector<16xi32>, vector<16xi32>], vector<16xf32>,
      %parallel_loop3A_180 = tpu.vector_load_idx %arg5[%parallel_loop3A_155, %broadcast_in_dim3A_98] : memref<512x26xf32, #tpu.memory_space<vmem>>[vector<16xi32>, vector<16xi32>], vector<16xf32>,
      %parallel_loop3A_181 = tpu.vector_load_idx %arg5[%parallel_loop3A_155, %broadcast_in_dim3A_100] : memref<512x26xf32, #tpu.memory_space<vmem>>[vector<16xi32>, vector<16xi32>], vector<16xf32>,
      %parallel_loop3A_182 = arith.cmpf ogt, %parallel_loop3A_157, %parallel_loop3A_156 : vector<16xf32>
      %parallel_loop3A_183 = arith.maximumf %parallel_loop3A_156, %parallel_loop3A_157 : vector<16xf32>
      %parallel_loop3A_184 = arith.select %parallel_loop3A_182, %broadcast_in_dim3A_52, %broadcast_in_dim3A_50 : vector<16xi1>, vector<16xi32>
      %parallel_loop3A_185 = arith.cmpf ogt, %parallel_loop3A_159, %parallel_loop3A_158 : vector<16xf32>
      %parallel_loop3A_186 = arith.maximumf %parallel_loop3A_158, %parallel_loop3A_159 : vector<16xf32>
      %parallel_loop3A_187 = arith.select %parallel_loop3A_185, %broadcast_in_dim3A_56, %broadcast_in_dim3A_54 : vector<16xi1>, vector<16xi32>
      %parallel_loop3A_188 = arith.cmpf ogt, %parallel_loop3A_161, %parallel_loop3A_160 : vector<16xf32>
      %parallel_loop3A_189 = arith.maximumf %parallel_loop3A_160, %parallel_loop3A_161 : vector<16xf32>
      %parallel_loop3A_190 = arith.select %parallel_loop3A_188, %broadcast_in_dim3A_60, %broadcast_in_dim3A_58 : vector<16xi1>, vector<16xi32>
      %parallel_loop3A_191 = arith.cmpf ogt, %parallel_loop3A_163, %parallel_loop3A_162 : vector<16xf32>
      %parallel_loop3A_192 = arith.maximumf %parallel_loop3A_162, %parallel_loop3A_163 : vector<16xf32>
      %parallel_loop3A_193 = arith.select %parallel_loop3A_191, %broadcast_in_dim3A_64, %broadcast_in_dim3A_62 : vector<16xi1>, vector<16xi32>
      %parallel_loop3A_194 = arith.cmpf ogt, %parallel_loop3A_165, %parallel_loop3A_164 : vector<16xf32>
      %parallel_loop3A_195 = arith.maximumf %parallel_loop3A_164, %parallel_loop3A_165 : vector<16xf32>
      %parallel_loop3A_196 = arith.select %parallel_loop3A_194, %broadcast_in_dim3A_68, %broadcast_in_dim3A_66 : vector<16xi1>, vector<16xi32>
      %parallel_loop3A_197 = arith.cmpf ogt, %parallel_loop3A_167, %parallel_loop3A_166 : vector<16xf32>
      %parallel_loop3A_198 = arith.maximumf %parallel_loop3A_166, %parallel_loop3A_167 : vector<16xf32>
      %parallel_loop3A_199 = arith.select %parallel_loop3A_197, %broadcast_in_dim3A_72, %broadcast_in_dim3A_70 : vector<16xi1>, vector<16xi32>
      %parallel_loop3A_200 = arith.cmpf ogt, %parallel_loop3A_169, %parallel_loop3A_168 : vector<16xf32>
      %parallel_loop3A_201 = arith.maximumf %parallel_loop3A_168, %parallel_loop3A_169 : vector<16xf32>
      %parallel_loop3A_202 = arith.select %parallel_loop3A_200, %broadcast_in_dim3A_76, %broadcast_in_dim3A_74 : vector<16xi1>, vector<16xi32>
      %parallel_loop3A_203 = arith.cmpf ogt, %parallel_loop3A_171, %parallel_loop3A_170 : vector<16xf32>
      %parallel_loop3A_204 = arith.maximumf %parallel_loop3A_170, %parallel_loop3A_171 : vector<16xf32>
      %parallel_loop3A_205 = arith.select %parallel_loop3A_203, %broadcast_in_dim3A_80, %broadcast_in_dim3A_78 : vector<16xi1>, vector<16xi32>
      %parallel_loop3A_206 = arith.cmpf ogt, %parallel_loop3A_173, %parallel_loop3A_172 : vector<16xf32>
      %parallel_loop3A_207 = arith.maximumf %parallel_loop3A_172, %parallel_loop3A_173 : vector<16xf32>
      %parallel_loop3A_208 = arith.select %parallel_loop3A_206, %broadcast_in_dim3A_84, %broadcast_in_dim3A_82 : vector<16xi1>, vector<16xi32>
      %parallel_loop3A_209 = arith.cmpf ogt, %parallel_loop3A_175, %parallel_loop3A_174 : vector<16xf32>
      %parallel_loop3A_210 = arith.maximumf %parallel_loop3A_174, %parallel_loop3A_175 : vector<16xf32>
      %parallel_loop3A_211 = arith.select %parallel_loop3A_209, %broadcast_in_dim3A_88, %broadcast_in_dim3A_86 : vector<16xi1>, vector<16xi32>
      %parallel_loop3A_212 = arith.cmpf ogt, %parallel_loop3A_177, %parallel_loop3A_176 : vector<16xf32>
      %parallel_loop3A_213 = arith.maximumf %parallel_loop3A_176, %parallel_loop3A_177 : vector<16xf32>
      %parallel_loop3A_214 = arith.select %parallel_loop3A_212, %broadcast_in_dim3A_92, %broadcast_in_dim3A_90 : vector<16xi1>, vector<16xi32>
      %parallel_loop3A_215 = arith.cmpf ogt, %parallel_loop3A_179, %parallel_loop3A_178 : vector<16xf32>
      %parallel_loop3A_216 = arith.maximumf %parallel_loop3A_178, %parallel_loop3A_179 : vector<16xf32>
      %parallel_loop3A_217 = arith.select %parallel_loop3A_215, %broadcast_in_dim3A_96, %broadcast_in_dim3A_94 : vector<16xi1>, vector<16xi32>
      %parallel_loop3A_218 = arith.cmpf ogt, %parallel_loop3A_181, %parallel_loop3A_180 : vector<16xf32>
      %parallel_loop3A_219 = arith.maximumf %parallel_loop3A_180, %parallel_loop3A_181 : vector<16xf32>
      %parallel_loop3A_220 = arith.select %parallel_loop3A_218, %broadcast_in_dim3A_100, %broadcast_in_dim3A_98 : vector<16xi1>, vector<16xi32>
      %parallel_loop3A_221 = arith.cmpf ogt, %parallel_loop3A_186, %parallel_loop3A_183 : vector<16xf32>
      %parallel_loop3A_222 = arith.maximumf %parallel_loop3A_183, %parallel_loop3A_186 : vector<16xf32>
      %parallel_loop3A_223 = arith.select %parallel_loop3A_221, %parallel_loop3A_187, %parallel_loop3A_184 : vector<16xi1>, vector<16xi32>
      %parallel_loop3A_224 = arith.cmpf ogt, %parallel_loop3A_192, %parallel_loop3A_189 : vector<16xf32>
      %parallel_loop3A_225 = arith.maximumf %parallel_loop3A_189, %parallel_loop3A_192 : vector<16xf32>
      %parallel_loop3A_226 = arith.select %parallel_loop3A_224, %parallel_loop3A_193, %parallel_loop3A_190 : vector<16xi1>, vector<16xi32>
      %parallel_loop3A_227 = arith.cmpf ogt, %parallel_loop3A_198, %parallel_loop3A_195 : vector<16xf32>
      %parallel_loop3A_228 = arith.maximumf %parallel_loop3A_195, %parallel_loop3A_198 : vector<16xf32>
      %parallel_loop3A_229 = arith.select %parallel_loop3A_227, %parallel_loop3A_199, %parallel_loop3A_196 : vector<16xi1>, vector<16xi32>
      %parallel_loop3A_230 = arith.cmpf ogt, %parallel_loop3A_204, %parallel_loop3A_201 : vector<16xf32>
      %parallel_loop3A_231 = arith.maximumf %parallel_loop3A_201, %parallel_loop3A_204 : vector<16xf32>
      %parallel_loop3A_232 = arith.select %parallel_loop3A_230, %parallel_loop3A_205, %parallel_loop3A_202 : vector<16xi1>, vector<16xi32>
      %parallel_loop3A_233 = arith.cmpf ogt, %parallel_loop3A_210, %parallel_loop3A_207 : vector<16xf32>
      %parallel_loop3A_234 = arith.maximumf %parallel_loop3A_207, %parallel_loop3A_210 : vector<16xf32>
      %parallel_loop3A_235 = arith.select %parallel_loop3A_233, %parallel_loop3A_211, %parallel_loop3A_208 : vector<16xi1>, vector<16xi32>
      %parallel_loop3A_236 = arith.cmpf ogt, %parallel_loop3A_216, %parallel_loop3A_213 : vector<16xf32>
      %parallel_loop3A_237 = arith.maximumf %parallel_loop3A_213, %parallel_loop3A_216 : vector<16xf32>
      %parallel_loop3A_238 = arith.select %parallel_loop3A_236, %parallel_loop3A_217, %parallel_loop3A_214 : vector<16xi1>, vector<16xi32>
      %parallel_loop3A_239 = arith.cmpf ogt, %parallel_loop3A_225, %parallel_loop3A_222 : vector<16xf32>
      %parallel_loop3A_240 = arith.maximumf %parallel_loop3A_222, %parallel_loop3A_225 : vector<16xf32>
      %parallel_loop3A_241 = arith.select %parallel_loop3A_239, %parallel_loop3A_226, %parallel_loop3A_223 : vector<16xi1>, vector<16xi32>
      %parallel_loop3A_242 = arith.cmpf ogt, %parallel_loop3A_231, %parallel_loop3A_228 : vector<16xf32>
      %parallel_loop3A_243 = arith.maximumf %parallel_loop3A_228, %parallel_loop3A_231 : vector<16xf32>
      %parallel_loop3A_244 = arith.select %parallel_loop3A_242, %parallel_loop3A_232, %parallel_loop3A_229 : vector<16xi1>, vector<16xi32>
      %parallel_loop3A_245 = arith.cmpf ogt, %parallel_loop3A_237, %parallel_loop3A_234 : vector<16xf32>
      %parallel_loop3A_246 = arith.maximumf %parallel_loop3A_234, %parallel_loop3A_237 : vector<16xf32>
      %parallel_loop3A_247 = arith.select %parallel_loop3A_245, %parallel_loop3A_238, %parallel_loop3A_235 : vector<16xi1>, vector<16xi32>
      %parallel_loop3A_248 = arith.cmpf ogt, %parallel_loop3A_243, %parallel_loop3A_240 : vector<16xf32>
      %parallel_loop3A_249 = arith.maximumf %parallel_loop3A_240, %parallel_loop3A_243 : vector<16xf32>
      %parallel_loop3A_250 = arith.select %parallel_loop3A_248, %parallel_loop3A_244, %parallel_loop3A_241 : vector<16xi1>, vector<16xi32>
      %parallel_loop3A_251 = arith.cmpf ogt, %parallel_loop3A_219, %parallel_loop3A_246 : vector<16xf32>
      %parallel_loop3A_252 = arith.maximumf %parallel_loop3A_246, %parallel_loop3A_219 : vector<16xf32>
      %parallel_loop3A_253 = arith.select %parallel_loop3A_251, %parallel_loop3A_220, %parallel_loop3A_247 : vector<16xi1>, vector<16xi32>
      %parallel_loop3A_254 = arith.cmpf ogt, %parallel_loop3A_252, %parallel_loop3A_249 : vector<16xf32>
      %parallel_loop3A_255 = arith.maximumf %parallel_loop3A_249, %parallel_loop3A_252 : vector<16xf32>
      %parallel_loop3A_256 = arith.select %parallel_loop3A_254, %parallel_loop3A_253, %parallel_loop3A_250 : vector<16xi1>, vector<16xi32>
      %parallel_loop3A_257 = tpu.vector_load_idx %arg6[%parallel_loop3A_256] : memref<26xi32, #tpu.memory_space<vmem>>[vector<16xi32>], vector<16xi32>,
      %parallel_loop3A_258 = arith.constant 16 : i32
      %parallel_loop3A_259 = arith.muli %parallel_loop3A_151, %parallel_loop3A_258 : i32
      %parallel_loop3A_260 = arith.index_cast %parallel_loop3A_259 : i32 to index
      %parallel_loop3A_261 = tpu.vector_load %arg7[%parallel_loop3A_260] {strides = array<i32>} : memref<512xi32, #tpu.memory_space<vmem>>, vector<16xi32>,
      tpu.vector_store %arg7[%parallel_loop3A_260], %parallel_loop3A_257 {strides = array<i32>} : memref<512xi32, #tpu.memory_space<vmem>>, vector<16xi32>,
    } {sc.loop_unroll_factor = 2 : i64, sc.parallel_access}
    %dma_wait3A_138 = arith.constant 256 : i32
    %dma_wait3A_139 = arith.constant 0 : i32
    %dma_wait3A_140 = tpu.memref_slice %arg5[%dma_wait3A_138, %dma_wait3A_139] : memref<512x26xf32, #tpu.memory_space<vmem>> -> memref<256x26xf32, #tpu.memory_space<vmem>>
    %dma_wait3A_141 = arith.constant 0 : i32
    %dma_wait3A_142 = tpu.memref_slice %arg2[%add3A_39, %dma_wait3A_141] : memref<16384x26xf32, #tpu.memory_space<hbm>> -> memref<256x26xf32, #tpu.memory_space<hbm>>
    %dma_wait3A_143 = arith.constant 256 : i32
    %dma_wait3A_144 = arith.constant 0 : i32
    %dma_wait3A_145 = tpu.memref_slice %arg5[%dma_wait3A_143, %dma_wait3A_144] : memref<512x26xf32, #tpu.memory_space<vmem>> -> memref<256x26xf32, #tpu.memory_space<vmem>>
    %dma_wait3A_146 = arith.constant 0 : i32
    %dma_wait3A_147 = tpu.memref_slice %arg2[%add3A_39, %dma_wait3A_146] : memref<16384x26xf32, #tpu.memory_space<hbm>> -> memref<256x26xf32, #tpu.memory_space<hbm>>
    tpu.wait_dma2 semaphore(%arg11 : memref<!tpu.dma_semaphore, #tpu.memory_space<semaphore_mem>>) src(%dma_wait3A_147 : memref<256x26xf32, #tpu.memory_space<hbm>>) dst(%dma_wait3A_145 : memref<256x26xf32, #tpu.memory_space<vmem>>)
    %parallel_loop3A_148 = arith.constant 16 : i32
    %parallel_loop3A_149 = arith.constant 32 : i32
    %parallel_loop3A_150 = arith.constant 1 : i32
    scf.for %parallel_loop3A_151 = %parallel_loop3A_148 to %parallel_loop3A_149 step %parallel_loop3A_150  : i32 {
      %parallel_loop3A_152 = arith.constant 16 : i32
      %parallel_loop3A_153 = arith.muli %parallel_loop3A_151, %parallel_loop3A_152 : i32
      %parallel_loop3A_154 = vector.broadcast %parallel_loop3A_153 : i32 to vector<16xi32>
      %parallel_loop3A_155 = arith.addi %parallel_loop3A_154, %iota3A : vector<16xi32>
      %parallel_loop3A_156 = tpu.vector_load_idx %arg5[%parallel_loop3A_155, %broadcast_in_dim3A_50] : memref<512x26xf32, #tpu.memory_space<vmem>>[vector<16xi32>, vector<16xi32>], vector<16xf32>,
      %parallel_loop3A_157 = tpu.vector_load_idx %arg5[%parallel_loop3A_155, %broadcast_in_dim3A_52] : memref<512x26xf32, #tpu.memory_space<vmem>>[vector<16xi32>, vector<16xi32>], vector<16xf32>,
      %parallel_loop3A_158 = tpu.vector_load_idx %arg5[%parallel_loop3A_155, %broadcast_in_dim3A_54] : memref<512x26xf32, #tpu.memory_space<vmem>>[vector<16xi32>, vector<16xi32>], vector<16xf32>,
      %parallel_loop3A_159 = tpu.vector_load_idx %arg5[%parallel_loop3A_155, %broadcast_in_dim3A_56] : memref<512x26xf32, #tpu.memory_space<vmem>>[vector<16xi32>, vector<16xi32>], vector<16xf32>,
      %parallel_loop3A_160 = tpu.vector_load_idx %arg5[%parallel_loop3A_155, %broadcast_in_dim3A_58] : memref<512x26xf32, #tpu.memory_space<vmem>>[vector<16xi32>, vector<16xi32>], vector<16xf32>,
      %parallel_loop3A_161 = tpu.vector_load_idx %arg5[%parallel_loop3A_155, %broadcast_in_dim3A_60] : memref<512x26xf32, #tpu.memory_space<vmem>>[vector<16xi32>, vector<16xi32>], vector<16xf32>,
      %parallel_loop3A_162 = tpu.vector_load_idx %arg5[%parallel_loop3A_155, %broadcast_in_dim3A_62] : memref<512x26xf32, #tpu.memory_space<vmem>>[vector<16xi32>, vector<16xi32>], vector<16xf32>,
      %parallel_loop3A_163 = tpu.vector_load_idx %arg5[%parallel_loop3A_155, %broadcast_in_dim3A_64] : memref<512x26xf32, #tpu.memory_space<vmem>>[vector<16xi32>, vector<16xi32>], vector<16xf32>,
      %parallel_loop3A_164 = tpu.vector_load_idx %arg5[%parallel_loop3A_155, %broadcast_in_dim3A_66] : memref<512x26xf32, #tpu.memory_space<vmem>>[vector<16xi32>, vector<16xi32>], vector<16xf32>,
      %parallel_loop3A_165 = tpu.vector_load_idx %arg5[%parallel_loop3A_155, %broadcast_in_dim3A_68] : memref<512x26xf32, #tpu.memory_space<vmem>>[vector<16xi32>, vector<16xi32>], vector<16xf32>,
      %parallel_loop3A_166 = tpu.vector_load_idx %arg5[%parallel_loop3A_155, %broadcast_in_dim3A_70] : memref<512x26xf32, #tpu.memory_space<vmem>>[vector<16xi32>, vector<16xi32>], vector<16xf32>,
      %parallel_loop3A_167 = tpu.vector_load_idx %arg5[%parallel_loop3A_155, %broadcast_in_dim3A_72] : memref<512x26xf32, #tpu.memory_space<vmem>>[vector<16xi32>, vector<16xi32>], vector<16xf32>,
      %parallel_loop3A_168 = tpu.vector_load_idx %arg5[%parallel_loop3A_155, %broadcast_in_dim3A_74] : memref<512x26xf32, #tpu.memory_space<vmem>>[vector<16xi32>, vector<16xi32>], vector<16xf32>,
      %parallel_loop3A_169 = tpu.vector_load_idx %arg5[%parallel_loop3A_155, %broadcast_in_dim3A_76] : memref<512x26xf32, #tpu.memory_space<vmem>>[vector<16xi32>, vector<16xi32>], vector<16xf32>,
      %parallel_loop3A_170 = tpu.vector_load_idx %arg5[%parallel_loop3A_155, %broadcast_in_dim3A_78] : memref<512x26xf32, #tpu.memory_space<vmem>>[vector<16xi32>, vector<16xi32>], vector<16xf32>,
      %parallel_loop3A_171 = tpu.vector_load_idx %arg5[%parallel_loop3A_155, %broadcast_in_dim3A_80] : memref<512x26xf32, #tpu.memory_space<vmem>>[vector<16xi32>, vector<16xi32>], vector<16xf32>,
      %parallel_loop3A_172 = tpu.vector_load_idx %arg5[%parallel_loop3A_155, %broadcast_in_dim3A_82] : memref<512x26xf32, #tpu.memory_space<vmem>>[vector<16xi32>, vector<16xi32>], vector<16xf32>,
      %parallel_loop3A_173 = tpu.vector_load_idx %arg5[%parallel_loop3A_155, %broadcast_in_dim3A_84] : memref<512x26xf32, #tpu.memory_space<vmem>>[vector<16xi32>, vector<16xi32>], vector<16xf32>,
      %parallel_loop3A_174 = tpu.vector_load_idx %arg5[%parallel_loop3A_155, %broadcast_in_dim3A_86] : memref<512x26xf32, #tpu.memory_space<vmem>>[vector<16xi32>, vector<16xi32>], vector<16xf32>,
      %parallel_loop3A_175 = tpu.vector_load_idx %arg5[%parallel_loop3A_155, %broadcast_in_dim3A_88] : memref<512x26xf32, #tpu.memory_space<vmem>>[vector<16xi32>, vector<16xi32>], vector<16xf32>,
      %parallel_loop3A_176 = tpu.vector_load_idx %arg5[%parallel_loop3A_155, %broadcast_in_dim3A_90] : memref<512x26xf32, #tpu.memory_space<vmem>>[vector<16xi32>, vector<16xi32>], vector<16xf32>,
      %parallel_loop3A_177 = tpu.vector_load_idx %arg5[%parallel_loop3A_155, %broadcast_in_dim3A_92] : memref<512x26xf32, #tpu.memory_space<vmem>>[vector<16xi32>, vector<16xi32>], vector<16xf32>,
      %parallel_loop3A_178 = tpu.vector_load_idx %arg5[%parallel_loop3A_155, %broadcast_in_dim3A_94] : memref<512x26xf32, #tpu.memory_space<vmem>>[vector<16xi32>, vector<16xi32>], vector<16xf32>,
      %parallel_loop3A_179 = tpu.vector_load_idx %arg5[%parallel_loop3A_155, %broadcast_in_dim3A_96] : memref<512x26xf32, #tpu.memory_space<vmem>>[vector<16xi32>, vector<16xi32>], vector<16xf32>,
      %parallel_loop3A_180 = tpu.vector_load_idx %arg5[%parallel_loop3A_155, %broadcast_in_dim3A_98] : memref<512x26xf32, #tpu.memory_space<vmem>>[vector<16xi32>, vector<16xi32>], vector<16xf32>,
      %parallel_loop3A_181 = tpu.vector_load_idx %arg5[%parallel_loop3A_155, %broadcast_in_dim3A_100] : memref<512x26xf32, #tpu.memory_space<vmem>>[vector<16xi32>, vector<16xi32>], vector<16xf32>,
      %parallel_loop3A_182 = arith.cmpf ogt, %parallel_loop3A_157, %parallel_loop3A_156 : vector<16xf32>
      %parallel_loop3A_183 = arith.maximumf %parallel_loop3A_156, %parallel_loop3A_157 : vector<16xf32>
      %parallel_loop3A_184 = arith.select %parallel_loop3A_182, %broadcast_in_dim3A_52, %broadcast_in_dim3A_50 : vector<16xi1>, vector<16xi32>
      %parallel_loop3A_185 = arith.cmpf ogt, %parallel_loop3A_159, %parallel_loop3A_158 : vector<16xf32>
      %parallel_loop3A_186 = arith.maximumf %parallel_loop3A_158, %parallel_loop3A_159 : vector<16xf32>
      %parallel_loop3A_187 = arith.select %parallel_loop3A_185, %broadcast_in_dim3A_56, %broadcast_in_dim3A_54 : vector<16xi1>, vector<16xi32>
      %parallel_loop3A_188 = arith.cmpf ogt, %parallel_loop3A_161, %parallel_loop3A_160 : vector<16xf32>
      %parallel_loop3A_189 = arith.maximumf %parallel_loop3A_160, %parallel_loop3A_161 : vector<16xf32>
      %parallel_loop3A_190 = arith.select %parallel_loop3A_188, %broadcast_in_dim3A_60, %broadcast_in_dim3A_58 : vector<16xi1>, vector<16xi32>
      %parallel_loop3A_191 = arith.cmpf ogt, %parallel_loop3A_163, %parallel_loop3A_162 : vector<16xf32>
      %parallel_loop3A_192 = arith.maximumf %parallel_loop3A_162, %parallel_loop3A_163 : vector<16xf32>
      %parallel_loop3A_193 = arith.select %parallel_loop3A_191, %broadcast_in_dim3A_64, %broadcast_in_dim3A_62 : vector<16xi1>, vector<16xi32>
      %parallel_loop3A_194 = arith.cmpf ogt, %parallel_loop3A_165, %parallel_loop3A_164 : vector<16xf32>
      %parallel_loop3A_195 = arith.maximumf %parallel_loop3A_164, %parallel_loop3A_165 : vector<16xf32>
      %parallel_loop3A_196 = arith.select %parallel_loop3A_194, %broadcast_in_dim3A_68, %broadcast_in_dim3A_66 : vector<16xi1>, vector<16xi32>
      %parallel_loop3A_197 = arith.cmpf ogt, %parallel_loop3A_167, %parallel_loop3A_166 : vector<16xf32>
      %parallel_loop3A_198 = arith.maximumf %parallel_loop3A_166, %parallel_loop3A_167 : vector<16xf32>
      %parallel_loop3A_199 = arith.select %parallel_loop3A_197, %broadcast_in_dim3A_72, %broadcast_in_dim3A_70 : vector<16xi1>, vector<16xi32>
      %parallel_loop3A_200 = arith.cmpf ogt, %parallel_loop3A_169, %parallel_loop3A_168 : vector<16xf32>
      %parallel_loop3A_201 = arith.maximumf %parallel_loop3A_168, %parallel_loop3A_169 : vector<16xf32>
      %parallel_loop3A_202 = arith.select %parallel_loop3A_200, %broadcast_in_dim3A_76, %broadcast_in_dim3A_74 : vector<16xi1>, vector<16xi32>
      %parallel_loop3A_203 = arith.cmpf ogt, %parallel_loop3A_171, %parallel_loop3A_170 : vector<16xf32>
      %parallel_loop3A_204 = arith.maximumf %parallel_loop3A_170, %parallel_loop3A_171 : vector<16xf32>
      %parallel_loop3A_205 = arith.select %parallel_loop3A_203, %broadcast_in_dim3A_80, %broadcast_in_dim3A_78 : vector<16xi1>, vector<16xi32>
      %parallel_loop3A_206 = arith.cmpf ogt, %parallel_loop3A_173, %parallel_loop3A_172 : vector<16xf32>
      %parallel_loop3A_207 = arith.maximumf %parallel_loop3A_172, %parallel_loop3A_173 : vector<16xf32>
      %parallel_loop3A_208 = arith.select %parallel_loop3A_206, %broadcast_in_dim3A_84, %broadcast_in_dim3A_82 : vector<16xi1>, vector<16xi32>
      %parallel_loop3A_209 = arith.cmpf ogt, %parallel_loop3A_175, %parallel_loop3A_174 : vector<16xf32>
      %parallel_loop3A_210 = arith.maximumf %parallel_loop3A_174, %parallel_loop3A_175 : vector<16xf32>
      %parallel_loop3A_211 = arith.select %parallel_loop3A_209, %broadcast_in_dim3A_88, %broadcast_in_dim3A_86 : vector<16xi1>, vector<16xi32>
      %parallel_loop3A_212 = arith.cmpf ogt, %parallel_loop3A_177, %parallel_loop3A_176 : vector<16xf32>
      %parallel_loop3A_213 = arith.maximumf %parallel_loop3A_176, %parallel_loop3A_177 : vector<16xf32>
      %parallel_loop3A_214 = arith.select %parallel_loop3A_212, %broadcast_in_dim3A_92, %broadcast_in_dim3A_90 : vector<16xi1>, vector<16xi32>
      %parallel_loop3A_215 = arith.cmpf ogt, %parallel_loop3A_179, %parallel_loop3A_178 : vector<16xf32>
      %parallel_loop3A_216 = arith.maximumf %parallel_loop3A_178, %parallel_loop3A_179 : vector<16xf32>
      %parallel_loop3A_217 = arith.select %parallel_loop3A_215, %broadcast_in_dim3A_96, %broadcast_in_dim3A_94 : vector<16xi1>, vector<16xi32>
      %parallel_loop3A_218 = arith.cmpf ogt, %parallel_loop3A_181, %parallel_loop3A_180 : vector<16xf32>
      %parallel_loop3A_219 = arith.maximumf %parallel_loop3A_180, %parallel_loop3A_181 : vector<16xf32>
      %parallel_loop3A_220 = arith.select %parallel_loop3A_218, %broadcast_in_dim3A_100, %broadcast_in_dim3A_98 : vector<16xi1>, vector<16xi32>
      %parallel_loop3A_221 = arith.cmpf ogt, %parallel_loop3A_186, %parallel_loop3A_183 : vector<16xf32>
      %parallel_loop3A_222 = arith.maximumf %parallel_loop3A_183, %parallel_loop3A_186 : vector<16xf32>
      %parallel_loop3A_223 = arith.select %parallel_loop3A_221, %parallel_loop3A_187, %parallel_loop3A_184 : vector<16xi1>, vector<16xi32>
      %parallel_loop3A_224 = arith.cmpf ogt, %parallel_loop3A_192, %parallel_loop3A_189 : vector<16xf32>
      %parallel_loop3A_225 = arith.maximumf %parallel_loop3A_189, %parallel_loop3A_192 : vector<16xf32>
      %parallel_loop3A_226 = arith.select %parallel_loop3A_224, %parallel_loop3A_193, %parallel_loop3A_190 : vector<16xi1>, vector<16xi32>
      %parallel_loop3A_227 = arith.cmpf ogt, %parallel_loop3A_198, %parallel_loop3A_195 : vector<16xf32>
      %parallel_loop3A_228 = arith.maximumf %parallel_loop3A_195, %parallel_loop3A_198 : vector<16xf32>
      %parallel_loop3A_229 = arith.select %parallel_loop3A_227, %parallel_loop3A_199, %parallel_loop3A_196 : vector<16xi1>, vector<16xi32>
      %parallel_loop3A_230 = arith.cmpf ogt, %parallel_loop3A_204, %parallel_loop3A_201 : vector<16xf32>
      %parallel_loop3A_231 = arith.maximumf %parallel_loop3A_201, %parallel_loop3A_204 : vector<16xf32>
      %parallel_loop3A_232 = arith.select %parallel_loop3A_230, %parallel_loop3A_205, %parallel_loop3A_202 : vector<16xi1>, vector<16xi32>
      %parallel_loop3A_233 = arith.cmpf ogt, %parallel_loop3A_210, %parallel_loop3A_207 : vector<16xf32>
      %parallel_loop3A_234 = arith.maximumf %parallel_loop3A_207, %parallel_loop3A_210 : vector<16xf32>
      %parallel_loop3A_235 = arith.select %parallel_loop3A_233, %parallel_loop3A_211, %parallel_loop3A_208 : vector<16xi1>, vector<16xi32>
      %parallel_loop3A_236 = arith.cmpf ogt, %parallel_loop3A_216, %parallel_loop3A_213 : vector<16xf32>
      %parallel_loop3A_237 = arith.maximumf %parallel_loop3A_213, %parallel_loop3A_216 : vector<16xf32>
      %parallel_loop3A_238 = arith.select %parallel_loop3A_236, %parallel_loop3A_217, %parallel_loop3A_214 : vector<16xi1>, vector<16xi32>
      %parallel_loop3A_239 = arith.cmpf ogt, %parallel_loop3A_225, %parallel_loop3A_222 : vector<16xf32>
      %parallel_loop3A_240 = arith.maximumf %parallel_loop3A_222, %parallel_loop3A_225 : vector<16xf32>
      %parallel_loop3A_241 = arith.select %parallel_loop3A_239, %parallel_loop3A_226, %parallel_loop3A_223 : vector<16xi1>, vector<16xi32>
      %parallel_loop3A_242 = arith.cmpf ogt, %parallel_loop3A_231, %parallel_loop3A_228 : vector<16xf32>
      %parallel_loop3A_243 = arith.maximumf %parallel_loop3A_228, %parallel_loop3A_231 : vector<16xf32>
      %parallel_loop3A_244 = arith.select %parallel_loop3A_242, %parallel_loop3A_232, %parallel_loop3A_229 : vector<16xi1>, vector<16xi32>
      %parallel_loop3A_245 = arith.cmpf ogt, %parallel_loop3A_237, %parallel_loop3A_234 : vector<16xf32>
      %parallel_loop3A_246 = arith.maximumf %parallel_loop3A_234, %parallel_loop3A_237 : vector<16xf32>
      %parallel_loop3A_247 = arith.select %parallel_loop3A_245, %parallel_loop3A_238, %parallel_loop3A_235 : vector<16xi1>, vector<16xi32>
      %parallel_loop3A_248 = arith.cmpf ogt, %parallel_loop3A_243, %parallel_loop3A_240 : vector<16xf32>
      %parallel_loop3A_249 = arith.maximumf %parallel_loop3A_240, %parallel_loop3A_243 : vector<16xf32>
      %parallel_loop3A_250 = arith.select %parallel_loop3A_248, %parallel_loop3A_244, %parallel_loop3A_241 : vector<16xi1>, vector<16xi32>
      %parallel_loop3A_251 = arith.cmpf ogt, %parallel_loop3A_219, %parallel_loop3A_246 : vector<16xf32>
      %parallel_loop3A_252 = arith.maximumf %parallel_loop3A_246, %parallel_loop3A_219 : vector<16xf32>
      %parallel_loop3A_253 = arith.select %parallel_loop3A_251, %parallel_loop3A_220, %parallel_loop3A_247 : vector<16xi1>, vector<16xi32>
      %parallel_loop3A_254 = arith.cmpf ogt, %parallel_loop3A_252, %parallel_loop3A_249 : vector<16xf32>
      %parallel_loop3A_255 = arith.maximumf %parallel_loop3A_249, %parallel_loop3A_252 : vector<16xf32>
      %parallel_loop3A_256 = arith.select %parallel_loop3A_254, %parallel_loop3A_253, %parallel_loop3A_250 : vector<16xi1>, vector<16xi32>
      %parallel_loop3A_257 = tpu.vector_load_idx %arg6[%parallel_loop3A_256] : memref<26xi32, #tpu.memory_space<vmem>>[vector<16xi32>], vector<16xi32>,
      %parallel_loop3A_258 = arith.constant 16 : i32
      %parallel_loop3A_259 = arith.muli %parallel_loop3A_151, %parallel_loop3A_258 : i32
      %parallel_loop3A_260 = arith.index_cast %parallel_loop3A_259 : i32 to index
      %parallel_loop3A_261 = tpu.vector_load %arg7[%parallel_loop3A_260] {strides = array<i32>} : memref<512xi32, #tpu.memory_space<vmem>>, vector<16xi32>,
      tpu.vector_store %arg7[%parallel_loop3A_260], %parallel_loop3A_257 {strides = array<i32>} : memref<512xi32, #tpu.memory_space<vmem>>, vector<16xi32>,
    } {sc.loop_unroll_factor = 2 : i64, sc.parallel_access}
    "tpu.region"() ({
      %run_scoped3A = tpu.sem_alloc : memref<!tpu.dma_semaphore, #tpu.memory_space<semaphore_mem>>
      %dma_start3A_151 = tpu.memref_slice %arg4[%mul3A_2] : memref<16384xi32, #tpu.memory_space<hbm>> -> memref<512xi32, #tpu.memory_space<hbm>>
      %dma_start3A_152 = tpu.memref_slice %arg4[%mul3A_2] : memref<16384xi32, #tpu.memory_space<hbm>> -> memref<512xi32, #tpu.memory_space<hbm>>
      tpu.enqueue_dma source(%arg7 : memref<512xi32, #tpu.memory_space<vmem>>) target(%dma_start3A_152 : memref<512xi32, #tpu.memory_space<hbm>>) target_semaphore(%run_scoped3A : memref<!tpu.dma_semaphore, #tpu.memory_space<semaphore_mem>>)
      %dma_wait3A_153 = tpu.memref_slice %arg4[%mul3A_2] : memref<16384xi32, #tpu.memory_space<hbm>> -> memref<512xi32, #tpu.memory_space<hbm>>
      %dma_wait3A_154 = tpu.memref_slice %arg4[%mul3A_2] : memref<16384xi32, #tpu.memory_space<hbm>> -> memref<512xi32, #tpu.memory_space<hbm>>
      tpu.wait_dma2 semaphore(%run_scoped3A : memref<!tpu.dma_semaphore, #tpu.memory_space<semaphore_mem>>) src(%arg7 : memref<512xi32, #tpu.memory_space<vmem>>) dst(%dma_wait3A_154 : memref<512xi32, #tpu.memory_space<hbm>>)
      tpu.yield
    }) : () -> ()
    return
  }
}

</mosaic_0001>

<sc_bundles>
// kernel: kernel.3.cloned.1.call-start
scs
__scs_entry_jumppad:
0x0: {  	(pc) =	sbr.rel $0x88, $3  }
0x1: {  	(tag) =	ssettag $0x0;
	lr =	simm.s32 $0x1  }
0x2: {  	[smem:$0x3F9F] =	sst lr;
	_ =	strace $0xD0000000  }
0x3: {  	_ = 	snop  }
0x4: {  	_ = 	snop  }
0x5: {  	_ = 	snop  }
0x6: {  	_ = 	snop  }
0x7: {  	_ = 	snop  }
__scs_overlays_trampoline_lowered:
0x8: {  	[smem:$0x3FAE] =	sst s0  }
0x9: {  	[smem:$0x3FAF] =	sst s1  }
0xa: {  	[smem:$0x3FB0] =	sst s2  }
0xb: {  	[smem:$0x3FB1] =	sst s3  }
0xc: {  	[smem:$0x3FB2] =	sst s4  }
0xd: {  	[smem:$0x3FB3] =	sst s5  }
0xe: {  	[smem:$0x3FB4] =	sst s6  }
0xf: {  	[smem:$0x3FB5] =	sst s7  }
0x10: {  	[smem:$0x3FB6] =	sst s8  }
0x11: {  	[smem:$0x3FB7] =	sst s9;
	s0 =	simm.s32 @!p0 $0x0  }
0x12: {  	s1 =	sld [smem:$0x3F9D];
	s0 =	simm.s32 @p0 $0x1  }
0x13: {  	[smem:$0x3FB8] =	sst s0;
	s0 =	simm.s32 @!p1 $0x0  }
0x14: {  	s2 =	sld [smem:$0x3F9C];
	s0 =	simm.s32 @p1 $0x1  }
0x15: {  	[smem:$0x3FB9] =	sst s0;
	s0 =	simm.s32 @!p2 $0x0  }
0x16: {  	s3 =	sld [smem:$0x3FDB];
	s0 =	simm.s32 @p2 $0x1  }
0x17: {  	s4 =	simm.s32 $0x1BF5;
	[smem:$0x3FBB] =	sst s0  }
0x18: {  	s0 =	sld [smem:$0x3F9E];
	_ =	swait.ge [sflag:s4], $0x0  }
0x19: {  	s7 =	sld [smem:$0x3F9F]  }
0x1a: {  	s8 =	sadd.s32 $0xFFFFE003, lr  }
0x1b: {  	s9 =	sadd.s32 $0xFFFFFEF7, lr;
	s5 =	simm.s32 $0xFFFFFFFF;
	p2 =	slt.u32 s8, $0xFFFFF086  }
0x1c: {  	p1 =	slt.u32 s9, $0xF7A;
	s5 =	simm.s32 @!p2 $0x0  }
0x1d: {  	s5 =	simm.s32 @p1 $0x1;
	p0 =	seq.s32 s7, s2  }
0x1e: {  	s7 =	smul.u32 @!p0 $0xF7A, s2;
	p2 =	seq.s32 @!p0 s5, $0x0  }
0x1f: {  	s9 =	smul.u32 $0xF7A, s1;
	s8 =	simm.s32 @!p0 $0x1BF5;
	p2 =	por !p2, p0  }
0x20: {  	[sflag:s8] =	ssyncset.s32 @!p0 $0xFFFFF086;
	s6 =	sadd.s32 @!p0 s3, s7;
	s7 =	simm.s32 @!p0 $0x108  }
0x21: {  	s3 =	sadd.s32 s3, s9;
	s6 =	sadd.s32 @!p0 $0x88, s6;
	s7 =	simm.s32 @p2 $0x1082  }
0x22: {  	[simem:s7], [sflag:s8] =	dma.local @!p0 [hbm:s6], $0xF7A  }
0x23: {  	s9 =	sor.u32 $0xD0000000, s2;
	s6 =	simm.s32 $0x108;
	_ =	swait.ge @!p0 [sflag:s8], $0x0  }
0x24: {  	s3 =	sadd.s32 $0x88, s3;
	s6 =	simm.s32 @!p1 $0x1082;
	[sflag:s4] =	ssyncset.s32 $0xFFFFF086  }
0x25: {  	[simem:s6], [sflag:s4] =	dma.local [hbm:s3], $0xF7A  }
0x26: {  	[smem:$0x3F9F] =	sst s1;
	(tag) =	ssettag s2;
	_ =	strace s9  }
0x27: {  	s1 =	sld [smem:$0x3FAF]  }
0x28: {  	s2 =	sld [smem:$0x3FB0]  }
0x29: {  	s4 =	sld [smem:$0x3FB2]  }
0x2a: {  	p0 =	seq.s32 s5, $0x0;
	s5 =	sld [smem:$0x3FB3]  }
0x2b: {  	s6 =	sld [smem:$0x3FB4]  }
0x2c: {  	s7 =	sld [smem:$0x3FB5]  }
0x2d: {  	s3 =	simm.s32 $0x108;
	s8 =	sld [smem:$0x3FB6]  }
0x2e: {  	s3 =	simm.s32 @!p0 $0x1082;
	s9 =	sld [smem:$0x3FB7]  }
0x2f: {  	lr =	sadd.s32 s0, s3;
	s0 =	sld [smem:$0x3FAE]  }
0x30: {  	s3 =	sld [smem:$0x3FB1]  }
0x31: {  	[smem:$0x3FBA] =	sst s10  }
0x32: {  	s10 =	sld [smem:$0x3FB8];
	_ =	sdelay $0x3  }
0x33: {  	p0 =	seq.s32 s10, $0x1;
	s10 =	sld [smem:$0x3FBA];
	_ =	sdelay $0x3  }
0x34: {  	[smem:$0x3FBA] =	sst s10  }
0x35: {  	s10 =	sld [smem:$0x3FB9];
	_ =	sdelay $0x3  }
0x36: {  	p1 =	seq.s32 s10, $0x1;
	s10 =	sld [smem:$0x3FBA];
	_ =	sdelay $0x3  }
0x37: {  	[smem:$0x3FBA] =	sst s10  }
0x38: {  	s10 =	sld [smem:$0x3FBB]  }
0x39: {  	_ = 	snop;
	(pc) =	sbr.ind lr, $3  }
0x3a: {  	_ = 	snop  }
0x3b: {  	_ = 	snop  }
0x3c: {  	p2 =	seq.s32 s10, $0x1;
	s10 =	sld [smem:$0x3FBA]  }
0x3d: {  	_ =	shalt  }
0x3e: {  	_ =	shalt  }
0x3f: {  	_ =	shalt  }
0x40: {  	_ =	shalt  }
0x41: {  	_ =	shalt  }
0x42: {  	_ =	shalt  }
0x43: {  	_ =	shalt  }
0x44: {  	_ =	shalt  }
0x45: {  	_ =	shalt  }
0x46: {  	_ =	shalt  }
0x47: {  	_ =	shalt  }
0x48: {  	_ =	shalt  }
0x49: {  	_ =	shalt  }
0x4a: {  	_ =	shalt  }
0x4b: {  	_ =	shalt  }
0x4c: {  	_ =	shalt  }
0x4d: {  	_ =	shalt  }
0x4e: {  	_ =	shalt  }
0x4f: {  	_ =	shalt  }
0x50: {  	_ =	shalt  }
0x51: {  	_ =	shalt  }
0x52: {  	_ =	shalt  }
0x53: {  	_ =	shalt  }
0x54: {  	_ =	shalt  }
0x55: {  	_ =	shalt  }
0x56: {  	_ =	shalt  }
0x57: {  	_ =	shalt  }
0x58: {  	_ =	shalt  }
0x59: {  	_ =	shalt  }
0x5a: {  	_ =	shalt  }
0x5b: {  	_ =	shalt  }
0x5c: {  	_ =	shalt  }
0x5d: {  	_ =	shalt  }
0x5e: {  	_ =	shalt  }
0x5f: {  	_ =	shalt  }
0x60: {  	_ =	shalt  }
0x61: {  	_ =	shalt  }
0x62: {  	_ =	shalt  }
0x63: {  	_ =	shalt  }
0x64: {  	_ =	shalt  }
0x65: {  	_ =	shalt  }
0x66: {  	_ =	shalt  }
0x67: {  	_ =	shalt  }
0x68: {  	_ =	shalt  }
0x69: {  	_ =	shalt  }
0x6a: {  	_ =	shalt  }
0x6b: {  	_ =	shalt  }
0x6c: {  	_ =	shalt  }
0x6d: {  	_ =	shalt  }
0x6e: {  	_ =	shalt  }
0x6f: {  	_ =	shalt  }
0x70: {  	_ =	shalt  }
0x71: {  	_ =	shalt  }
0x72: {  	_ =	shalt  }
0x73: {  	_ =	shalt  }
0x74: {  	_ =	shalt  }
0x75: {  	_ =	shalt  }
0x76: {  	_ =	shalt  }
0x77: {  	_ =	shalt  }
0x78: {  	_ =	shalt  }
0x79: {  	_ =	shalt  }
0x7a: {  	_ =	shalt  }
0x7b: {  	_ =	shalt  }
0x7c: {  	_ =	shalt  }
0x7d: {  	_ =	shalt  }
0x7e: {  	_ =	shalt  }
0x7f: {  	_ =	shalt  }
0x80: {  	_ =	shalt  }
0x81: {  	_ =	shalt  }
0x82: {  	_ =	shalt  }
0x83: {  	_ =	shalt  }
0x84: {  	_ =	shalt  }
0x85: {  	_ =	shalt  }
0x86: {  	_ =	shalt  }
0x87: {  	_ =	shalt  }
.Lfunc_end0:
.L_simem_size_0:
called_computation_lowered:
.L_overlay_start_0:
0x88: {  	s2 =	sld [smem:$0x3FD9]  }
0x89: {  	s3 =	sld [smem:$0x3FFE];
	_ =	sdelay $0x1  }
0x8a: {  	s1 =	srdreg.scid  }
0x8b: {  	s0 =	sand.u32 $0x1, s1  }
0x8c: {  	s17 =	sshll.u32 s0, $0xA;
	s2 =	sadd.s32 s3, s2  }
0x8d: {  	s2 =	sadd.s32 s2, s17  }
0x8e: {  	[smem:$0x3FC6] =	sst s2  }
0x8f: {  	_ = 	snop  }
0x90: {  	s2 =	sld [smem:$0x3FC8]  }
0x91: {  	s18 =	sld [smem:$0x3FD0];
	(tm) =	ssettm $0x1  }
0x92: {  	s4 =	sld [smem:$0x3FFB];
	_ =	sdelay $0x3  }
0x93: {  	_ =	strace s4  }
0x94: {  	s4 =	sld [smem:$0x3FFC];
	_ =	sdelay $0x3  }
0x95: {  	_ =	strace s4  }
0x96: {  	s4 =	sld [smem:$0x3FFD];
	_ =	sdelay $0x3  }
0x97: {  	_ =	strace s4  }
0x98: {  	_ =	strace $0x8FFFFFFF  }
0x99: {  	s19 =	sld [smem:$0x3FDB];
	_ =	sdelay $0x1  }
0x9a: {  	s5 =	simm.s32 $_scs_section_size  }
0x9b: {  	s6 =	simm.s32 $_size__tile_overlayer_lowered;
	s7 =	simm.s32 $_tile_overlayer_lowered  }
0x9c: {  	s22 =	simm.s32 $0x1BFF;
	s21 =	sshll.u32 s7, $0x1;
	s4 =	sadd.s32 s5, s19  }
0x9d: {  	s8 =	simm.s32 $0x0;
	s20 =	sshll.u32 s6, $0x1;
	s6 =	sadd.s32 s21, s4  }
0x9e: {  	[timem:s8], [sflag:s22] =	dma.local [hbm:s6], s20  }
0x9f: {  	_ =	swait.ge [sflag:s22], s20  }
0xa0: {  	s5 =	ssub.s32 $0x0, s20;
	[sflag:s22] =	ssyncset.done $0x0  }
0xa1: {  	[sflag:s22] =	ssyncadd.s32 s5;
	_ =	sdelay $0x1  }
0xa2: {  	s23 =	simm.s32 $0x1B8B  }
0xa3: {  	_ =	swait.ge [sflag:s23], $0x1  }
0xa4: {  	[sflag:s23] =	ssyncset.done $0x0  }
0xa5: {  	s25 =	simm.s32 $0x1B8E;
	s24 =	sld [smem:$0x3FFE];
	[sflag:s23] =	ssyncadd.s32 $0xFFFFFFFF  }
0xa6: {  	s26 =	simm.s32 $execute0_lowered;
	[smem:$0x3FD2] =	sst s25  }
0xa7: {  	s6 =	sshll.u32 s26, $0x1;
	_ =	strace $0x80000046;
	[dreg:$0x1] =	wrdreg $0xFFFFFFFF  }
0xa8: {  	s28 =	simm.s32 $_size_execute0_lowered;
	s4 =	sadd.s32 s4, s6;
	[dreg:$0x0] =	wrdreg $0x0  }
0xa9: {  	s6 =	sshll.u32 s28, $0x1;
	[dreg:$0x2] =	wrdreg s4  }
0xaa: {  	[dreg:$0x3] =	wrdreg s6  }
0xab: {  	[dreg:$0x4] =	wrdreg $0xC0  }
0xac: {  	_ =	task [dreg:s8], $0x5FFFF  }
0xad: {  	[dreg:$0x1] =	wrdreg $0xFFFFFFFF  }
0xae: {  	[dreg:$0x0] =	wrdreg $0x60  }
0xaf: {  	[dreg:$0x2] =	wrdreg s24  }
0xb0: {  	[dreg:$0x3] =	wrdreg s2  }
0xb1: {  	[dreg:$0x4] =	wrdreg s18  }
0xb2: {  	[dreg:$0x5] =	wrdreg $0x9  }
0xb3: {  	_ =	task.clear_ibuf [dreg:s8], $0x6FFFF;
	_ =	strace $0x90000046  }
0xb4: {  	s29 =	simm.s32 $0x9;
	_ =	strace $0x80000048  }
0xb5: {  	_ =	swait.ge [sflag:s29], $0x1  }
0xb6: {  	[sflag:s29] =	ssyncadd.s32 $0xFFFFFFFF  }
0xb7: {  	_ =	strace $0x90000048  }
0xb8: {  	_ =	sfence  }
0xb9: {  	s30 =	sld [smem:$0x0];
	_ =	sdelay $0x2  }
0xba: {  	s31 =	sshll.u32 s1, $0xD;
	s1 =	sshrl.u32 s1, $0x2  }
0xbb: {  	s3 =	sand.u32 $0x4000, s31;
	s1 =	sadd.s32 s1, s30  }
0xbc: {  	s0 =	sor.u32 s3, s0;
	s1 =	sshll.u32 s1, $0x11  }
0xbd: {  	s0 =	sor.u32 s1, s0  }
0xbe: {  	s0 =	sadd.s32 $0x8F2B, s0  }
0xbf: {  	[sflag:s0] =	ssyncadd.remote.s32 $0x1  }
0xc0: {  	_ =	sfence.sel $0xFFFF  }
0xc1: {  	[dreg:$0x0] =	wrdreg $0xFFFFFFFF;
	(pc) =	sbr.abs _section_cstart, $3  }
0xc2: {  	[dreg:$0x1] =	wrdreg $0xFFFFFFFF  }
0xc3: {  	_ =	task.clear_ibuf [dreg:s8], $0x2FFFF;
	_ =	strace $0x9FFFFFFF  }
0xc4: {  	(tm) =	ssettm $0x7FFFFFFF  }
0xc5: {  	_ =	shalt  }
tec
execute0_lowered:
.L_overlay_start_1:
0x0: {  	(tag) =	ssettag $0x1  }
0x1: {  	s4 =	rddreg [dreg:$0x0]  }
0x2: {  	s1 =	srdreg.scid;
	s2 =	rddreg [dreg:$0x1]  }
0x3: {  	s0 =	stileid.u32;
	s8 =	rddreg [dreg:$0x2]  }
0x4: {  	s3 =	simm.s32 $0x0;
	s11 =	simm.s32 $0x4000;
	s12 =	simm.s32 $0x8000  }
0x5: {  	s13 =	simm.s32 $0x10000;
	s14 =	simm.s32 $0x5;
	s15 =	simm.s32 $0x1  }
0x6: {  	s16 =	simm.s32 $0x3;
	s17 =	simm.s32 $0x4;
	s18 =	simm.s32 $0x10080  }
0x7: {  	s19 =	simm.s32 $0x0;
	s5 =	sand.u32 $0x1, s1;
	s1 =	rddreg [dreg:$0x3]  }
0x8: {  	s6 =	sshll.u32 s0, $0xA;
	[smem:$0x7FF] =	sst s3;
	s7 =	sshll.u32 s5, $0x9  }
0x9: {  	v0 =	vlaneseq.u32;
	v13 =	vimm.s32 $0x2;
	v2 =	vimm.s32 $0x6;
	s5 =	ssub.s32 $0x2, s5;
	_ =	strace $0x80000047;
	s9 =	sor.u32 s7, s6  }
0xa: {  	v3 =	vimm.s32 $0x8;
	v4 =	vimm.s32 $0xA;
	v5 =	vimm.s32 $0xC;
	s31 =	sshrl.u32 s5, $0x1;
	s6 =	sshll.u32 s9, $0x4;
	s9 =	sshrl.u32 s9, $0x3  }
0xb: {  	v6 =	vimm.s32 $0xE;
	v7 =	vimm.s32 $0x10;
	v43 =	vmul.u32 $0x80, v0;
	s10 =	ssub.s32 s5, s31;
	s30 =	sadd.s32 s6, s4;
	s8 =	sadd.s32 s8, s9  }
0xc: {  	v8 =	vimm.s32 $0x12;
	v9 =	vimm.s32 $0x14;
	v10 =	vimm.s32 $0x16;
	s9 =	smax.u32 s10, $0x1;
	s10 =	simm.s32 $0x2000;
	s4 =	sadd.s32 $0x400, s30  }
0xd: {  	v11 =	vimm.s32 $0x18;
	v12 =	vimm.s32 $0x0;
	v0 =	vimm.s32 $0x4;
	[tilespmem:$0x1FFF0] =	vst v43;
	s5 =	sadd.s32 $0x800, s30;
	s6 =	sadd.s32 $0xC00, s30;
	s7 =	sadd.s32 $0x1400, s30  }
.LBB2_1:
0xe: {  	[tilespmem:s3], [sflag:$0x1] =	stream.linear.gather [hbm4b:s4+s3], $0x2000, $0x38;
	[tilespmem:$0x10280] =	vst v63  }
0xf: {  	_ = 	snop  }
0x10: {  	[tilespmem:s10], [sflag:$0x2] =	stream.linear.gather [hbm4b:s5+s3], $0x2000, $0x38;
	[tilespmem:$0x10280] =	vst v63  }
0x11: {  	_ = 	snop  }
0x12: {  	[tilespmem:s11], [sflag:$0x3] =	stream.linear.gather [hbm4b:s6+s3], $0x4000, $0x38;
	[tilespmem:$0x10280] =	vst v63  }
0x13: {  	_ = 	snop  }
0x14: {  	[tilespmem:s12], [sflag:$0x4] =	stream.linear.gather [hbm4b:s7+s3], $0x8000, $0x38;
	[tilespmem:$0x10280] =	vst v63  }
0x15: {  	_ = 	snop  }
0x16: {  	[tilespmem:s13], [sflag:$0x5] =	stream.linear.gather [hbm4b:s2+s3], $0x80, $0x38;
	[tilespmem:$0x10280] =	vst v63  }
0x17: {  	_ =	swait.ge [sflag:s14], $0x80  }
0x18: {  	[sflag:s14] =	ssyncset.done $0x0  }
0x19: {  	[sflag:s14] =	ssyncadd.s32 $0xFFFFFF80  }
0x1a: {  	_ =	swait.ge [sflag:s15], $0x2000  }
0x1b: {  	[sflag:s15] =	ssyncset.done $0x0  }
0x1c: {  	p0 =	por $0x1, $0x1;
	s20 =	simm.s32 $0x0;
	[sflag:s15] =	ssyncadd.s32 $0xFFFFE000  }
.LBB2_2:
0x1d: {  	v1 =	vmov s20  }
0x1e: {  	v1 =	vshll.u32 v1, $0x7  }
0x1f: {  	v1 =	vor.u32 v43, v1  }
0x20: {  	v14 =	vor.u32 $0x1, v1  }
0x21: {  	v15 =	vor.u32 $0x2, v1  }
0x22: {  	v16 =	vor.u32 $0x3, v1  }
0x23: {  	v17 =	vor.u32 $0x4, v1  }
0x24: {  	v19 =	vor.u32 $0x5, v1;
	v18 =	vld.idx.msk [tilespmem:v1+s3+$0x0], $0xffff  }
0x25: {  	v20 =	vor.u32 $0x6, v1;
	v14 =	vld.idx.msk [tilespmem:v14+s3+$0x0], $0xffff  }
0x26: {  	v21 =	vor.u32 $0x7, v1;
	v15 =	vld.idx.msk [tilespmem:v15+s3+$0x0], $0xffff  }
0x27: {  	v22 =	vor.u32 $0x8, v1;
	v16 =	vld.idx.msk [tilespmem:v16+s3+$0x0], $0xffff  }
0x28: {  	v23 =	vor.u32 $0x9, v1;
	v17 =	vld.idx.msk [tilespmem:v17+s3+$0x0], $0xffff  }
0x29: {  	v24 =	vor.u32 $0xA, v1;
	v19 =	vld.idx.msk [tilespmem:v19+s3+$0x0], $0xffff  }
0x2a: {  	v25 =	vor.u32 $0xB, v1;
	v20 =	vld.idx.msk [tilespmem:v20+s3+$0x0], $0xffff  }
0x2b: {  	v26 =	vor.u32 $0xC, v1;
	v21 =	vld.idx.msk [tilespmem:v21+s3+$0x0], $0xffff  }
0x2c: {  	v27 =	vor.u32 $0xD, v1;
	v22 =	vld.idx.msk [tilespmem:v22+s3+$0x0], $0xffff  }
0x2d: {  	v28 =	vor.u32 $0xE, v1;
	v23 =	vld.idx.msk [tilespmem:v23+s3+$0x0], $0xffff  }
0x2e: {  	v29 =	vor.u32 $0xF, v1;
	v24 =	vld.idx.msk [tilespmem:v24+s3+$0x0], $0xffff  }
0x2f: {  	v30 =	vor.u32 $0x10, v1;
	v25 =	vld.idx.msk [tilespmem:v25+s3+$0x0], $0xffff  }
0x30: {  	v31 =	vor.u32 $0x11, v1;
	v26 =	vld.idx.msk [tilespmem:v26+s3+$0x0], $0xffff  }
0x31: {  	v32 =	vor.u32 $0x12, v1;
	v27 =	vld.idx.msk [tilespmem:v27+s3+$0x0], $0xffff  }
0x32: {  	v33 =	vor.u32 $0x13, v1;
	v28 =	vld.idx.msk [tilespmem:v28+s3+$0x0], $0xffff  }
0x33: {  	v34 =	vor.u32 $0x14, v1;
	v29 =	vld.idx.msk [tilespmem:v29+s3+$0x0], $0xffff  }
0x34: {  	v35 =	vor.u32 $0x15, v1;
	v30 =	vld.idx.msk [tilespmem:v30+s3+$0x0], $0xffff  }
0x35: {  	s21 =	sor.u32 $0x10, s20;
	v36 =	vor.u32 $0x16, v1;
	v31 =	vld.idx.msk [tilespmem:v31+s3+$0x0], $0xffff  }
0x36: {  	v39 =	vmov s21;
	v37 =	vor.u32 $0x17, v1;
	v32 =	vld.idx.msk [tilespmem:v32+s3+$0x0], $0xffff  }
0x37: {  	v52 =	vshll.u32 v39, $0x7;
	v38 =	vor.u32 $0x18, v1;
	v33 =	vld.idx.msk [tilespmem:v33+s3+$0x0], $0xffff  }
0x38: {  	v1 =	vor.u32 $0x19, v1;
	v34 =	vld.idx.msk [tilespmem:v34+s3+$0x0], $0xffff;
	vm0 =	vgt.f32 v14, v18;
	v14 =	vmax.f32 v18, v14  }
0x39: {  	v35 =	vld.idx.msk [tilespmem:v35+s3+$0x0], $0xffff;
	vm4 =	vgt.f32 v16, v15;
	v15 =	vmax.f32 v15, v16;
	vm5 =	vgt.f32 v19, v17  }
0x3a: {  	v36 =	vld.idx.msk [tilespmem:v36+s3+$0x0], $0xffff;
	v17 =	vmax.f32 v17, v19;
	vm6 =	vgt.f32 v21, v20;
	v20 =	vmax.f32 v20, v21  }
0x3b: {  	v37 =	vld.idx.msk [tilespmem:v37+s3+$0x0], $0xffff;
	vm7 =	vgt.f32 v23, v22;
	v22 =	vmax.f32 v22, v23;
	vm8 =	vgt.f32 v25, v24  }
0x3c: {  	v24 =	vmax.f32 v24, v25;
	vm9 =	vgt.f32 v27, v26;
	v26 =	vmax.f32 v26, v27  }
0x3d: {  	vm10 =	vgt.f32 v29, v28;
	v28 =	vmax.f32 v28, v29;
	vm11 =	vgt.f32 v31, v30  }
0x3e: {  	v30 =	vmax.f32 v30, v31;
	vm12 =	vgt.f32 v33, v32;
	v32 =	vmax.f32 v32, v33  }
0x3f: {  	vm13 =	vgt.f32 v35, v34;
	v33 =	vor.u32 v43, v52;
	v34 =	vmax.f32 v34, v35  }
0x40: {  	vm14 =	vgt.f32 v37, v36;
	v36 =	vmax.f32 v36, v37;
	v62 =	vsel vm0, $0x1, v12  }
0x41: {  	v63 =	vsel vm4, $0x3, v13;
	v45 =	vsel vm5, $0x5, v0;
	v46 =	vsel vm6, $0x7, v2  }
0x42: {  	v47 =	vsel vm7, $0x9, v3;
	v48 =	vsel vm8, $0xB, v4;
	v49 =	vsel vm9, $0xD, v5  }
0x43: {  	v50 =	vsel vm10, $0xF, v6;
	v51 =	vsel vm11, $0x11, v7;
	v53 =	vsel vm12, $0x13, v8  }
0x44: {  	v54 =	vsel vm13, $0x15, v9;
	v40 =	vor.u32 $0x1, v33;
	v55 =	vor.u32 $0x2, v33  }
0x45: {  	v41 =	vsel vm14, $0x17, v10;
	v42 =	vor.u32 $0x3, v33;
	vm1 =	vgt.f32 v15, v14  }
0x46: {  	v56 =	vor.u32 $0x4, v33;
	v14 =	vmax.f32 v14, v15;
	v57 =	vor.u32 $0x5, v33  }
0x47: {  	vm4 =	vgt.f32 v20, v17;
	v17 =	vmax.f32 v17, v20;
	v58 =	vor.u32 $0x6, v33  }
0x48: {  	v38 =	vld.idx.msk [tilespmem:v38+s3+$0x0], $0xffff;
	vm5 =	vgt.f32 v24, v22;
	v59 =	vor.u32 $0x7, v33;
	v22 =	vmax.f32 v22, v24  }
0x49: {  	v1 =	vld.idx.msk [tilespmem:v1+s3+$0x0], $0xffff;
	v60 =	vor.u32 $0x8, v33;
	vm6 =	vgt.f32 v28, v26;
	v26 =	vmax.f32 v26, v28  }
0x4a: {  	v61 =	vor.u32 $0x9, v33;
	vm7 =	vgt.f32 v32, v30;
	v30 =	vmax.f32 v30, v32;
	v16 =	vld.idx.msk [tilespmem:v33+s3+$0x0], $0xffff  }
0x4b: {  	vm8 =	vgt.f32 v36, v34;
	v34 =	vmax.f32 v34, v36;
	v52 =	vor.u32 $0x10, v33;
	v20 =	vld.idx.msk [tilespmem:v40+s3+$0x0], $0xffff  }
0x4c: {  	v15 =	vsel vm1, v63, v62;
	v19 =	vsel vm4, v46, v45;
	v23 =	vsel vm5, v48, v47;
	v21 =	vld.idx.msk [tilespmem:v55+s3+$0x0], $0xffff  }
0x4d: {  	v27 =	vsel vm6, v50, v49;
	v62 =	vor.u32 $0xA, v33;
	v31 =	vsel vm7, v53, v51;
	v24 =	vld.idx.msk [tilespmem:v42+s3+$0x0], $0xffff  }
0x4e: {  	v63 =	vor.u32 $0xB, v33;
	v45 =	vor.u32 $0xC, v33;
	v35 =	vsel vm8, v41, v54;
	v28 =	vld.idx.msk [tilespmem:v56+s3+$0x0], $0xffff  }
0x4f: {  	vm9 =	vgt.f32 v17, v14;
	v46 =	vor.u32 $0xD, v33;
	v14 =	vmax.f32 v14, v17;
	v18 =	vld.idx.msk [tilespmem:v57+s3+$0x0], $0xffff  }
0x50: {  	v48 =	vor.u32 $0xE, v33;
	vm10 =	vgt.f32 v26, v22;
	v22 =	vmax.f32 v22, v26;
	v32 =	vld.idx.msk [tilespmem:v58+s3+$0x0], $0xffff  }
0x51: {  	v50 =	vor.u32 $0xF, v33;
	vm11 =	vgt.f32 v34, v30;
	v30 =	vmax.f32 v30, v34;
	v44 =	vld.idx.msk [tilespmem:v59+s3+$0x0], $0xffff  }
0x52: {  	vm12 =	vgt.f32 v22, v14;
	vm15 =	vgt.f32 v1, v38;
	v1 =	vmax.f32 v38, v1;
	v25 =	vld.idx.msk [tilespmem:v60+s3+$0x0], $0xffff  }
0x53: {  	v14 =	vmax.f32 v14, v22;
	vm13 =	vgt.f32 v1, v30;
	v1 =	vmax.f32 v30, v1;
	v47 =	vld.idx.msk [tilespmem:v61+s3+$0x0], $0xffff  }
0x54: {  	v15 =	vsel vm9, v19, v15;
	v23 =	vsel vm10, v27, v23;
	vm14 =	vgt.f32 v1, v14;
	v1 =	vld.idx.msk [tilespmem:v52+s3+$0x0], $0xffff  }
0x55: {  	v54 =	vor.u32 $0x11, v33;
	v31 =	vsel vm11, v35, v31;
	v15 =	vsel vm12, v23, v15;
	v49 =	vld.idx.msk [tilespmem:v62+s3+$0x0], $0xffff  }
0x56: {  	v56 =	vor.u32 $0x12, v33;
	v57 =	vsel vm15, $0x19, v11;
	v58 =	vor.u32 $0x13, v33;
	v51 =	vld.idx.msk [tilespmem:v63+s3+$0x0], $0xffff  }
0x57: {  	v59 =	vor.u32 $0x14, v33;
	v14 =	vor.u32 $0x15, v33;
	v61 =	vor.u32 $0x16, v33;
	v53 =	vld.idx.msk [tilespmem:v45+s3+$0x0], $0xffff  }
0x58: {  	v55 =	vld.idx.msk [tilespmem:v46+s3+$0x0], $0xffff;
	v31 =	vsel vm13, v57, v31;
	v62 =	vor.u32 $0x17, v33;
	v63 =	vor.u32 $0x18, v33  }
0x59: {  	v19 =	vld.idx.msk [tilespmem:v48+s3+$0x0], $0xffff;
	v33 =	vor.u32 $0x19, v33;
	v15 =	vsel vm14, v31, v15;
	vm15 =	vgt.f32 v20, v16  }
0x5a: {  	v29 =	vld.idx.msk [tilespmem:v50+s3+$0x0], $0xffff;
	v16 =	vmax.f32 v16, v20;
	vm4 =	vgt.f32 v24, v21;
	v21 =	vmax.f32 v21, v24  }
0x5b: {  	v60 =	vld.idx.msk [tilespmem:v54+s3+$0x0], $0xffff;
	vm5 =	vgt.f32 v18, v28;
	v18 =	vmax.f32 v28, v18;
	vm6 =	vgt.f32 v44, v32  }
0x5c: {  	v32 =	vmax.f32 v32, v44;
	vm7 =	vgt.f32 v47, v25;
	v17 =	vmax.f32 v25, v47  }
0x5d: {  	v41 =	vsel vm15, $0x1, v12;
	v42 =	vsel vm4, $0x3, v13;
	v44 =	vsel vm5, $0x5, v0  }
0x5e: {  	v46 =	vsel vm6, $0x7, v2;
	vm8 =	vgt.f32 v51, v49;
	v26 =	vmax.f32 v49, v51  }
0x5f: {  	v37 =	vld.idx.msk [tilespmem:v56+s3+$0x0], $0xffff;
	v47 =	vsel vm7, $0x9, v3;
	vm9 =	vgt.f32 v55, v53;
	v22 =	vmax.f32 v53, v55  }
0x60: {  	v23 =	vld.idx.msk [tilespmem:v58+s3+$0x0], $0xffff;
	vm10 =	vgt.f32 v29, v19;
	v19 =	vmax.f32 v19, v29;
	vm11 =	vgt.f32 v60, v1  }
0x61: {  	v40 =	vld.idx.msk [tilespmem:v59+s3+$0x0], $0xffff;
	v1 =	vmax.f32 v1, v60;
	vm4 =	vgt.f32 v21, v16;
	v16 =	vmax.f32 v16, v21  }
0x62: {  	v14 =	vld.idx.msk [tilespmem:v14+s3+$0x0], $0xffff;
	vm5 =	vgt.f32 v32, v18;
	v18 =	vmax.f32 v18, v32;
	v48 =	vsel vm8, $0xB, v4  }
0x63: {  	v35 =	vld.idx.msk [tilespmem:v61+s3+$0x0], $0xffff;
	v49 =	vsel vm9, $0xD, v5;
	v50 =	vsel vm10, $0xF, v6;
	v51 =	vsel vm11, $0x11, v7  }
0x64: {  	v45 =	vld.idx.msk [tilespmem:v62+s3+$0x0], $0xffff;
	v28 =	vsel vm4, v42, v41;
	v56 =	vsel vm5, v46, v44;
	vm6 =	vgt.f32 v26, v17  }
0x65: {  	v20 =	vld.idx.msk [tilespmem:v63+s3+$0x0], $0xffff;
	v17 =	vmax.f32 v17, v26;
	vm7 =	vgt.f32 v19, v22;
	v19 =	vmax.f32 v22, v19  }
0x66: {  	v33 =	vld.idx.msk [tilespmem:v33+s3+$0x0], $0xffff;
	vm10 =	vgt.f32 v18, v16;
	v16 =	vmax.f32 v16, v18;
	v57 =	vsel vm6, v48, v47  }
0x67: {  	v58 =	vsel vm7, v50, v49;
	v61 =	vsel vm10, v56, v28;
	vm11 =	vgt.f32 v19, v17  }
0x68: {  	v17 =	vmax.f32 v17, v19;
	v62 =	vsel vm11, v58, v57;
	vm12 =	vgt.f32 v23, v37  }
0x69: {  	v23 =	vmax.f32 v37, v23;
	vm13 =	vgt.f32 v14, v40;
	v14 =	vmax.f32 v40, v14  }
0x6a: {  	v52 =	vsel vm12, $0x13, v8;
	vm14 =	vgt.f32 v45, v35;
	v25 =	vmax.f32 v35, v45  }
0x6b: {  	v53 =	vsel vm13, $0x15, v9;
	vm15 =	vgt.f32 v33, v20;
	v20 =	vmax.f32 v20, v33  }
0x6c: {  	vm8 =	vgt.f32 v23, v1;
	v1 =	vmax.f32 v1, v23;
	vm13 =	vgt.f32 v17, v16  }
0x6d: {  	v16 =	vmax.f32 v16, v17;
	v54 =	vsel vm14, $0x17, v10;
	v55 =	vsel vm15, $0x19, v11  }
0x6e: {  	v59 =	vsel vm8, v52, v51;
	vm9 =	vgt.f32 v25, v14;
	v14 =	vmax.f32 v14, v25  }
0x6f: {  	v60 =	vsel vm9, v54, v53;
	vm12 =	vgt.f32 v14, v1;
	v1 =	vmax.f32 v1, v14  }
0x70: {  	v14 =	vsel vm12, v60, v59;
	vm14 =	vgt.f32 v20, v1;
	v1 =	vmax.f32 v1, v20  }
0x71: {  	v63 =	vsel vm13, v62, v61;
	v14 =	vsel vm14, v55, v14;
	vm15 =	vgt.f32 v1, v16  }
0x72: {  	v1 =	vsel vm15, v14, v63;
	_ =	sdelay $0x3  }
0x73: {  	v14 =	vld.idx.msk [tilespmem:v15+s13+$0x0], $0xffff  }
0x74: {  	p1 =	por p0, p0;
	v1 =	vld.idx.msk [tilespmem:v1+s13+$0x0], $0xffff  }
.Ltmp0:
0x75: {  	_ = 	snop;
	(pc) =	sbr.rel @p1 .LBB2_2-.Ltmp0, $3  }
0x76: {  	_ =	sdelay $0x1  }
0x77: {  	[tilespmem:s20+$0x10080] =	vst v14  }
0x78: {  	p0 =	por $0x0, $0x0;
	[tilespmem:s20+$0x10090] =	vst v1;
	s20 =	simm.s32 $0x20  }
0x79: {  	s20 =	simm.s32 $0x40  }
0x7a: {  	v1 =	vmov s20  }
0x7b: {  	v1 =	vshll.u32 v1, $0x7  }
0x7c: {  	v1 =	vor.u32 v43, v1  }
0x7d: {  	s30 =	simm.s32 $0x2;
	v14 =	vor.u32 $0x18, v1  }
0x7e: {  	_ =	swait.ge [sflag:s30], $0x2000;
	v15 =	vor.u32 $0x19, v1  }
0x7f: {  	[sflag:s30] =	ssyncset.done $0x0;
	v16 =	vor.u32 $0x1, v1  }
0x80: {  	[sflag:s30] =	ssyncadd.s32 $0xFFFFE000;
	v17 =	vor.u32 $0x2, v1  }
0x81: {  	v19 =	vor.u32 $0x3, v1;
	v18 =	vld.idx.msk [tilespmem:v1+s3+$0x0], $0xffff  }
0x82: {  	v22 =	vor.u32 $0x6, v1;
	v21 =	vld.idx.msk [tilespmem:v14+s3+$0x0], $0xffff  }
0x83: {  	v23 =	vor.u32 $0x7, v1;
	v15 =	vld.idx.msk [tilespmem:v15+s3+$0x0], $0xffff  }
0x84: {  	v24 =	vor.u32 $0x8, v1;
	v16 =	vld.idx.msk [tilespmem:v16+s3+$0x0], $0xffff  }
0x85: {  	v25 =	vor.u32 $0x9, v1;
	v17 =	vld.idx.msk [tilespmem:v17+s3+$0x0], $0xffff  }
0x86: {  	v28 =	vor.u32 $0xC, v1;
	v19 =	vld.idx.msk [tilespmem:v19+s3+$0x0], $0xffff  }
0x87: {  	v29 =	vor.u32 $0xD, v1;
	v22 =	vld.idx.msk [tilespmem:v22+s3+$0x0], $0xffff  }
0x88: {  	v30 =	vor.u32 $0xE, v1;
	v23 =	vld.idx.msk [tilespmem:v23+s3+$0x0], $0xffff  }
0x89: {  	v33 =	vor.u32 $0xF, v1;
	v24 =	vld.idx.msk [tilespmem:v24+s3+$0x0], $0xffff  }
0x8a: {  	v37 =	vor.u32 $0x12, v1;
	v25 =	vld.idx.msk [tilespmem:v25+s3+$0x0], $0xffff  }
0x8b: {  	v14 =	vor.u32 $0x5, v1;
	v28 =	vld.idx.msk [tilespmem:v28+s3+$0x0], $0xffff  }
0x8c: {  	v40 =	vor.u32 $0x13, v1;
	v29 =	vld.idx.msk [tilespmem:v29+s3+$0x0], $0xffff  }
0x8d: {  	s31 =	simm.s32 $0x50;
	v30 =	vld.idx.msk [tilespmem:v30+s3+$0x0], $0xffff  }
0x8e: {  	v31 =	vmov s31;
	v20 =	vor.u32 $0x4, v1;
	v27 =	vor.u32 $0xB, v1;
	v33 =	vld.idx.msk [tilespmem:v33+s3+$0x0], $0xffff  }
0x8f: {  	v48 =	vor.u32 $0x10, v1;
	v34 =	vor.u32 $0x11, v1;
	v49 =	vor.u32 $0x14, v1;
	v37 =	vld.idx.msk [tilespmem:v37+s3+$0x0], $0xffff  }
0x90: {  	v44 =	vor.u32 $0x15, v1;
	v50 =	vor.u32 $0x16, v1;
	v26 =	vld.idx.msk [tilespmem:v14+s3+$0x0], $0xffff;
	v14 =	vor.u32 $0xA, v1  }
0x91: {  	v40 =	vld.idx.msk [tilespmem:v40+s3+$0x0], $0xffff;
	vm1 =	vgt.f32 v16, v18;
	v16 =	vmax.f32 v18, v16;
	vm0 =	vgt.f32 v15, v21  }
0x92: {  	v15 =	vmax.f32 v21, v15;
	v1 =	vor.u32 $0x17, v1;
	vm3 =	vgt.f32 v19, v17  }
0x93: {  	v17 =	vmax.f32 v17, v19;
	vm5 =	vgt.f32 v23, v22;
	v22 =	vmax.f32 v22, v23  }
0x94: {  	vm6 =	vgt.f32 v25, v24;
	v24 =	vmax.f32 v24, v25;
	vm8 =	vgt.f32 v29, v28  }
0x95: {  	v20 =	vld.idx.msk [tilespmem:v20+s3+$0x0], $0xffff;
	v28 =	vmax.f32 v28, v29;
	vm11 =	vgt.f32 v33, v30;
	v30 =	vmax.f32 v30, v33  }
0x96: {  	vm2 =	vgt.f32 v40, v37;
	v55 =	vmax.f32 v37, v40;
	v57 =	vsel vm1, $0x1, v12  }
0x97: {  	v58 =	vsel vm3, $0x3, v13;
	vm1 =	vgt.f32 v17, v16;
	v16 =	vmax.f32 v16, v17  }
0x98: {  	v27 =	vld.idx.msk [tilespmem:v27+s3+$0x0], $0xffff;
	v60 =	vsel vm5, $0x7, v2;
	v61 =	vsel vm6, $0x9, v3;
	vm14 =	vgt.f32 v30, v28  }
0x99: {  	v44 =	vld.idx.msk [tilespmem:v44+s3+$0x0], $0xffff;
	v28 =	vmax.f32 v28, v30;
	v63 =	vsel vm8, $0xD, v5;
	v5 =	vsel vm11, $0xF, v6  }
0x9a: {  	v32 =	vld.idx.msk [tilespmem:v14+s3+$0x0], $0xffff;
	v14 =	vshll.u32 v31, $0x7;
	vm4 =	vgt.f32 v26, v20;
	v20 =	vmax.f32 v20, v26  }
0x9b: {  	v31 =	vld.idx.msk [tilespmem:v48+s3+$0x0], $0xffff;
	v48 =	vsel vm2, $0x13, v8;
	v14 =	vor.u32 v43, v14;
	v59 =	vsel vm4, $0x5, v0  }
0x9c: {  	v18 =	vld.idx.msk [tilespmem:v34+s3+$0x0], $0xffff;
	vm3 =	vgt.f32 v22, v20;
	v20 =	vmax.f32 v20, v22;
	v35 =	vor.u32 $0x1, v14  }
0x9d: {  	v34 =	vld.idx.msk [tilespmem:v50+s3+$0x0], $0xffff;
	v36 =	vor.u32 $0x2, v14;
	v38 =	vor.u32 $0x3, v14;
	v39 =	vor.u32 $0x4, v14  }
0x9e: {  	v1 =	vld.idx.msk [tilespmem:v1+s3+$0x0], $0xffff;
	v41 =	vor.u32 $0x5, v14;
	v42 =	vor.u32 $0x6, v14;
	v21 =	vor.u32 $0x7, v14  }
0x9f: {  	v43 =	vld.idx.msk [tilespmem:v49+s3+$0x0], $0xffff;
	v19 =	vor.u32 $0x8, v14;
	v51 =	vor.u32 $0x9, v14;
	v23 =	vor.u32 $0xA, v14  }
0xa0: {  	v25 =	vor.u32 $0xB, v14;
	v52 =	vor.u32 $0xC, v14;
	v53 =	vor.u32 $0xD, v14  }
0xa1: {  	v54 =	vor.u32 $0xE, v14;
	v56 =	vor.u32 $0xF, v14;
	vm7 =	vgt.f32 v27, v32  }
0xa2: {  	v27 =	vmax.f32 v32, v27;
	vm9 =	vgt.f32 v18, v31;
	v18 =	vmax.f32 v31, v18;
	v37 =	vld.idx.msk [tilespmem:v14+s3+$0x0], $0xffff  }
0xa3: {  	vm12 =	vgt.f32 v1, v34;
	v1 =	vmax.f32 v34, v1;
	v31 =	vsel vm14, v5, v63;
	v34 =	vld.idx.msk [tilespmem:v36+s3+$0x0], $0xffff  }
0xa4: {  	vm10 =	vgt.f32 v44, v43;
	v43 =	vmax.f32 v43, v44;
	vm13 =	vgt.f32 v27, v24;
	v17 =	vld.idx.msk [tilespmem:v38+s3+$0x0], $0xffff  }
0xa5: {  	v24 =	vmax.f32 v24, v27;
	v62 =	vsel vm7, $0xB, v4;
	vm15 =	vgt.f32 v55, v18;
	v22 =	vld.idx.msk [tilespmem:v39+s3+$0x0], $0xffff  }
0xa6: {  	v18 =	vmax.f32 v18, v55;
	v7 =	vsel vm9, $0x11, v7;
	v50 =	vsel vm12, $0x17, v10;
	v27 =	vld.idx.msk [tilespmem:v41+s3+$0x0], $0xffff  }
0xa7: {  	v55 =	vor.u32 $0x15, v14;
	v36 =	vsel vm1, v58, v57;
	vm1 =	vgt.f32 v1, v43;
	v26 =	vld.idx.msk [tilespmem:v51+s3+$0x0], $0xffff  }
0xa8: {  	v1 =	vmax.f32 v43, v1;
	v38 =	vsel vm3, v60, v59;
	v41 =	vsel vm13, v62, v61;
	v32 =	vld.idx.msk [tilespmem:v52+s3+$0x0], $0xffff  }
0xa9: {  	v49 =	vsel vm10, $0x15, v9;
	v39 =	vsel vm15, v48, v7;
	v51 =	vor.u32 $0x10, v14;
	v29 =	vld.idx.msk [tilespmem:v53+s3+$0x0], $0xffff  }
0xaa: {  	vm2 =	vgt.f32 v28, v24;
	v24 =	vmax.f32 v24, v28;
	v52 =	vor.u32 $0x12, v14;
	v33 =	vld.idx.msk [tilespmem:v54+s3+$0x0], $0xffff  }
0xab: {  	v53 =	vor.u32 $0x13, v14;
	v54 =	vld.idx.msk [tilespmem:v56+s3+$0x0], $0xffff;
	v56 =	vor.u32 $0x16, v14;
	v58 =	vor.u32 $0x17, v14  }
0xac: {  	v30 =	vld.idx.msk [tilespmem:v42+s3+$0x0], $0xffff;
	v60 =	vor.u32 $0x18, v14;
	v61 =	vor.u32 $0x19, v14;
	v42 =	vsel vm1, v50, v49  }
0xad: {  	v35 =	vld.idx.msk [tilespmem:v35+s3+$0x0], $0xffff;
	vm1 =	vgt.f32 v20, v16;
	v16 =	vmax.f32 v16, v20;
	v31 =	vsel vm2, v31, v41  }
0xae: {  	v21 =	vld.idx.msk [tilespmem:v21+s3+$0x0], $0xffff;
	v36 =	vsel vm1, v38, v36;
	vm1 =	vgt.f32 v1, v18;
	v1 =	vmax.f32 v18, v1  }
0xaf: {  	v19 =	vld.idx.msk [tilespmem:v19+s3+$0x0], $0xffff;
	v39 =	vsel vm1, v42, v39;
	vm1 =	vgt.f32 v24, v16;
	v16 =	vmax.f32 v16, v24  }
0xb0: {  	v23 =	vld.idx.msk [tilespmem:v23+s3+$0x0], $0xffff;
	vm2 =	vgt.f32 v15, v1;
	v1 =	vmax.f32 v1, v15;
	v15 =	vsel vm0, $0x19, v11  }
0xb1: {  	v25 =	vld.idx.msk [tilespmem:v25+s3+$0x0], $0xffff;
	vm0 =	vgt.f32 v1, v16;
	v1 =	vsel vm1, v31, v36;
	v15 =	vsel vm2, v15, v39  }
0xb2: {  	v20 =	vor.u32 $0x11, v14;
	v18 =	vor.u32 $0x14, v14;
	v1 =	vsel vm0, v15, v1  }
0xb3: {  	v57 =	vld.idx.msk [tilespmem:v51+s3+$0x0], $0xffff;
	vm0 =	vgt.f32 v35, v37;
	v35 =	vmax.f32 v37, v35;
	vm1 =	vgt.f32 v17, v34  }
0xb4: {  	v28 =	vld.idx.msk [tilespmem:v52+s3+$0x0], $0xffff;
	v34 =	vmax.f32 v34, v17;
	vm2 =	vgt.f32 v27, v22;
	v16 =	vmax.f32 v22, v27  }
0xb5: {  	v59 =	vld.idx.msk [tilespmem:v53+s3+$0x0], $0xffff;
	vm3 =	vgt.f32 v21, v30;
	v17 =	vmax.f32 v30, v21;
	vm4 =	vgt.f32 v26, v19  }
0xb6: {  	v63 =	vld.idx.msk [tilespmem:v56+s3+$0x0], $0xffff;
	v14 =	vmax.f32 v19, v26;
	vm5 =	vgt.f32 v25, v23;
	vm6 =	vgt.f32 v29, v32  }
0xb7: {  	v24 =	vld.idx.msk [tilespmem:v58+s3+$0x0], $0xffff;
	v40 =	vmax.f32 v32, v29;
	vm7 =	vgt.f32 v54, v33;
	v45 =	vmax.f32 v33, v54  }
0xb8: {  	v20 =	vld.idx.msk [tilespmem:v20+s3+$0x0], $0xffff;
	v50 =	vsel vm1, $0x3, v13;
	v48 =	vsel vm2, $0x5, v0;
	v51 =	vsel vm3, $0x7, v2  }
0xb9: {  	v62 =	vld.idx.msk [tilespmem:v55+s3+$0x0], $0xffff;
	v52 =	vsel vm4, $0x9, v3;
	v55 =	vsel vm5, $0xB, v4;
	v0 =	vimm.s32 $0xC  }
0xba: {  	v54 =	vsel vm7, $0xF, v6;
	v15 =	vld.idx.msk [tilespmem:v18+s3+$0x0], $0xffff;
	v18 =	vmax.f32 v23, v25;
	v53 =	vsel vm6, $0xD, v0  }
0xbb: {  	v0 =	vimm.s32 $0x10;
	vm13 =	vgt.f32 v59, v28;
	v46 =	vmax.f32 v28, v59;
	v19 =	vld.idx.msk [tilespmem:v1+s13+$0x0], $0xffff  }
0xbc: {  	vm15 =	vgt.f32 v24, v63;
	v1 =	vimm.s32 $0x0;
	v49 =	vmax.f32 v63, v24  }
0xbd: {  	vm12 =	vgt.f32 v20, v57;
	v42 =	vmax.f32 v57, v20;
	v47 =	vsel vm0, $0x1, v1  }
0xbe: {  	v58 =	vsel vm13, $0x13, v8;
	vm0 =	vgt.f32 v34, v35;
	v57 =	vmax.f32 v35, v34  }
0xbf: {  	s20 =	simm.s32 $0x100D0;
	v22 =	vld.idx.msk [tilespmem:v61+s3+$0x0], $0xffff;
	vm14 =	vgt.f32 v62, v15;
	v56 =	vsel vm12, $0x11, v0;
	v0 =	vimm.s32 $0x16  }
0xc0: {  	s21 =	simm.s32 $0x4;
	s22 =	simm.s32 $0x70;
	v43 =	vmax.f32 v15, v62;
	v15 =	vld.idx.msk [tilespmem:v60+s3+$0x0], $0xffff;
	v1 =	vsel vm14, $0x15, v9;
	v59 =	vsel vm15, $0x17, v0;
	[tilespmem:s20+$0xFFFFFFF0] =	vst v19  }
.LBB2_4:
0xc1: {  	v19 =	vmov s22;
	v0 =	vld [tilespmem:$0x1FFF0]  }
0xc2: {  	vm1 =	vgt.f32 v17, v16;
	v60 =	vmax.f32 v16, v17;
	vm2 =	vgt.f32 v18, v14  }
0xc3: {  	v62 =	vmax.f32 v14, v18;
	vm3 =	vgt.f32 v45, v40;
	v40 =	vmax.f32 v40, v45  }
0xc4: {  	s23 =	sadd.s32 $0xFFFFFFF0, s22;
	vm4 =	vgt.f32 v46, v42;
	v42 =	vmax.f32 v42, v46;
	vm5 =	vgt.f32 v49, v43  }
0xc5: {  	v47 =	vsel vm0, v50, v47;
	v16 =	vmov s23;
	v17 =	vshll.u32 v19, $0x7  }
0xc6: {  	v43 =	vmax.f32 v43, v49;
	v16 =	vshll.u32 v16, $0x7;
	v61 =	vor.u32 v0, v17  }
0xc7: {  	v48 =	vsel vm1, v51, v48;
	v50 =	vsel vm2, v55, v52;
	v63 =	vor.u32 v0, v16  }
0xc8: {  	v52 =	vsel vm3, v54, v53;
	v53 =	vsel vm4, v58, v56;
	v16 =	vor.u32 $0x18, v63  }
0xc9: {  	v1 =	vsel vm5, v59, v1;
	vm0 =	vgt.f32 v60, v57;
	v17 =	vor.u32 $0x19, v63  }
0xca: {  	v57 =	vmax.f32 v57, v60;
	v60 =	vimm.s32 $0x4;
	v18 =	vor.u32 $0x1, v63  }
0xcb: {  	vm1 =	vgt.f32 v40, v62;
	v40 =	vmax.f32 v62, v40;
	v19 =	vor.u32 $0x2, v63;
	v14 =	vld.idx.msk [tilespmem:v61+s3+$0x0], $0xffff  }
0xcc: {  	vm2 =	vgt.f32 v43, v42;
	v42 =	vmax.f32 v42, v43;
	v20 =	vor.u32 $0x3, v63;
	v2 =	vld.idx.msk [tilespmem:v63+s3+$0x0], $0xffff  }
0xcd: {  	v50 =	vsel vm1, v52, v50;
	v1 =	vsel vm2, v1, v53;
	v3 =	vor.u32 $0x4, v63;
	v4 =	vld.idx.msk [tilespmem:v16+s3+$0x0], $0xffff  }
0xce: {  	vm3 =	vgt.f32 v22, v15;
	v15 =	vmax.f32 v15, v22;
	v7 =	vor.u32 $0x6, v63;
	v5 =	vld.idx.msk [tilespmem:v17+s3+$0x0], $0xffff  }
0xcf: {  	v22 =	vsel vm0, v48, v47;
	vm0 =	vgt.f32 v40, v57;
	v9 =	vor.u32 $0x7, v63;
	v6 =	vld.idx.msk [tilespmem:v18+s3+$0x0], $0xffff  }
0xd0: {  	v40 =	vmax.f32 v57, v40;
	v57 =	vimm.s32 $0x10;
	v11 =	vor.u32 $0x8, v63;
	v8 =	vld.idx.msk [tilespmem:v19+s3+$0x0], $0xffff  }
0xd1: {  	vm1 =	vgt.f32 v15, v42;
	v15 =	vmax.f32 v42, v15;
	v12 =	vor.u32 $0x9, v63;
	v10 =	vld.idx.msk [tilespmem:v20+s3+$0x0], $0xffff  }
0xd2: {  	v22 =	vsel vm0, v50, v22;
	vm2 =	vgt.f32 v15, v40;
	v45 =	vor.u32 $0xC, v63;
	v3 =	vld.idx.msk [tilespmem:v3+s3+$0x0], $0xffff  }
0xd3: {  	v44 =	vor.u32 $0x1, v61;
	v41 =	vor.u32 $0x2, v61;
	v46 =	vor.u32 $0xD, v63;
	v7 =	vld.idx.msk [tilespmem:v7+s3+$0x0], $0xffff  }
0xd4: {  	v39 =	vor.u32 $0x3, v61;
	v38 =	vor.u32 $0x4, v61;
	v49 =	vor.u32 $0xE, v63;
	v9 =	vld.idx.msk [tilespmem:v9+s3+$0x0], $0xffff  }
0xd5: {  	v37 =	vor.u32 $0x5, v61;
	v36 =	vor.u32 $0x6, v61;
	v51 =	vor.u32 $0xF, v63;
	v11 =	vld.idx.msk [tilespmem:v11+s3+$0x0], $0xffff  }
0xd6: {  	v35 =	vor.u32 $0x7, v61;
	v34 =	vor.u32 $0x8, v61;
	v55 =	vor.u32 $0x10, v63;
	v12 =	vld.idx.msk [tilespmem:v12+s3+$0x0], $0xffff  }
0xd7: {  	v33 =	vor.u32 $0x9, v61;
	v32 =	vor.u32 $0xA, v61;
	v56 =	vor.u32 $0x11, v63;
	v45 =	vld.idx.msk [tilespmem:v45+s3+$0x0], $0xffff  }
0xd8: {  	v31 =	vor.u32 $0xB, v61;
	v30 =	vor.u32 $0xC, v61;
	v58 =	vor.u32 $0x12, v63;
	v46 =	vld.idx.msk [tilespmem:v46+s3+$0x0], $0xffff  }
0xd9: {  	v29 =	vor.u32 $0xD, v61;
	v28 =	vor.u32 $0xE, v61;
	v59 =	vor.u32 $0x13, v63;
	v49 =	vld.idx.msk [tilespmem:v49+s3+$0x0], $0xffff  }
0xda: {  	v27 =	vor.u32 $0xF, v61;
	v26 =	vor.u32 $0x10, v61;
	v48 =	vor.u32 $0x15, v63;
	v43 =	vld.idx.msk [tilespmem:v51+s3+$0x0], $0xffff  }
0xdb: {  	v25 =	vor.u32 $0x11, v61;
	v24 =	vor.u32 $0x12, v61;
	v53 =	vor.u32 $0x16, v63;
	v47 =	vld.idx.msk [tilespmem:v55+s3+$0x0], $0xffff  }
0xdc: {  	v23 =	vor.u32 $0x13, v61;
	v21 =	vor.u32 $0x14, v61;
	v16 =	vor.u32 $0x5, v63;
	v52 =	vld.idx.msk [tilespmem:v56+s3+$0x0], $0xffff  }
0xdd: {  	v0 =	vor.u32 $0xA, v63;
	v20 =	vor.u32 $0x15, v61;
	v55 =	vld.idx.msk [tilespmem:v58+s3+$0x0], $0xffff;
	v58 =	vimm.s32 $0x18  }
0xde: {  	v18 =	vor.u32 $0x16, v61;
	v19 =	vor.u32 $0x17, v61;
	v42 =	vld.idx.msk [tilespmem:v59+s3+$0x0], $0xffff;
	v62 =	vsel vm3, $0x19, v58  }
0xdf: {  	v17 =	vor.u32 $0x18, v61;
	v51 =	vor.u32 $0x14, v63;
	v48 =	vld.idx.msk [tilespmem:v48+s3+$0x0], $0xffff;
	v1 =	vsel vm1, v62, v1  }
0xe0: {  	v56 =	vor.u32 $0x17, v63;
	v59 =	vimm.s32 $0x16;
	v40 =	vsel vm2, v1, v22;
	v1 =	vld.idx.msk [tilespmem:v53+s3+$0x0], $0xffff  }
0xe1: {  	v53 =	vimm.s32 $0x0;
	v13 =	vld.idx.msk [tilespmem:v16+s3+$0x0], $0xffff;
	v16 =	vor.u32 $0x19, v61;
	v61 =	vor.u32 $0xB, v63  }
0xe2: {  	v38 =	vld.idx.msk [tilespmem:v38+s3+$0x0], $0xffff;
	v63 =	vimm.s32 $0xA;
	vm0 =	vgt.f32 v5, v4;
	vm1 =	vgt.f32 v6, v2  }
0xe3: {  	v37 =	vld.idx.msk [tilespmem:v37+s3+$0x0], $0xffff;
	v2 =	vmax.f32 v2, v6;
	v4 =	vmax.f32 v4, v5;
	vm2 =	vgt.f32 v10, v8  }
0xe4: {  	v32 =	vld.idx.msk [tilespmem:v32+s3+$0x0], $0xffff;
	v6 =	vmax.f32 v8, v10;
	vm4 =	vgt.f32 v9, v7;
	v7 =	vmax.f32 v7, v9  }
0xe5: {  	v31 =	vld.idx.msk [tilespmem:v31+s3+$0x0], $0xffff;
	vm5 =	vgt.f32 v12, v11;
	v9 =	vmax.f32 v11, v12;
	vm7 =	vgt.f32 v46, v45  }
0xe6: {  	v15 =	vld.idx.msk [tilespmem:v51+s3+$0x0], $0xffff;
	v11 =	vmax.f32 v45, v46;
	vm8 =	vgt.f32 v43, v49;
	vm9 =	vgt.f32 v52, v47  }
0xe7: {  	v12 =	vld.idx.msk [tilespmem:v39+s3+$0x0], $0xffff;
	v22 =	vmax.f32 v47, v52;
	vm10 =	vgt.f32 v42, v55;
	v39 =	vmax.f32 v55, v42  }
0xe8: {  	v62 =	vld.idx.msk [tilespmem:v56+s3+$0x0], $0xffff;
	v55 =	vimm.s32 $0x2;
	v56 =	vimm.s32 $0xE;
	[tilespmem:$0x1FFE0] =	vst v16;
	v16 =	vimm.s32 $0x8  }
0xe9: {  	v10 =	vld.idx.msk [tilespmem:v41+s3+$0x0], $0xffff;
	v41 =	vsel vm1, $0x1, v53;
	v5 =	vsel vm0, $0x19, v58;
	v42 =	vsel vm2, $0x3, v55  }
0xea: {  	v0 =	vld.idx.msk [tilespmem:v0+s3+$0x0], $0xffff;
	v58 =	vimm.s32 $0x12;
	vm0 =	vgt.f32 v6, v2;
	v2 =	vmax.f32 v2, v6  }
0xeb: {  	v34 =	vld.idx.msk [tilespmem:v34+s3+$0x0], $0xffff;
	v45 =	vsel vm5, $0x9, v16;
	v50 =	vsel vm10, $0x13, v58;
	v16 =	vmax.f32 v38, v37  }
0xec: {  	vm5 =	vgt.f32 v31, v32;
	v54 =	vld.idx.msk [tilespmem:v61+s3+$0x0], $0xffff;
	v61 =	vimm.s32 $0x6;
	vm3 =	vgt.f32 v13, v3  }
0xed: {  	v33 =	vld.idx.msk [tilespmem:v33+s3+$0x0], $0xffff;
	v3 =	vmax.f32 v3, v13;
	v13 =	vmax.f32 v49, v43;
	vm11 =	vgt.f32 v48, v15  }
0xee: {  	v26 =	vld.idx.msk [tilespmem:v26+s3+$0x0], $0xffff;
	v15 =	vmax.f32 v15, v48;
	vm12 =	vgt.f32 v62, v1;
	v1 =	vmax.f32 v1, v62  }
0xef: {  	v25 =	vld.idx.msk [tilespmem:v25+s3+$0x0], $0xffff;
	v62 =	vimm.s32 $0x4;
	v48 =	vsel vm8, $0xF, v56;
	v49 =	vsel vm9, $0x11, v57  }
0xf0: {  	v8 =	vld.idx.msk [tilespmem:v44+s3+$0x0], $0xffff;
	v43 =	vsel vm3, $0x5, v60;
	v44 =	vsel vm4, $0x7, v61;
	v60 =	vimm.s32 $0x6  }
0xf1: {  	v61 =	vimm.s32 $0x14;
	v52 =	vsel vm12, $0x17, v59;
	vm1 =	vgt.f32 v7, v3  }
0xf2: {  	v3 =	vmax.f32 v3, v7;
	vm3 =	vgt.f32 v13, v11;
	v7 =	vld.idx.msk [tilespmem:v29+s3+$0x0], $0xffff;
	v29 =	vmax.f32 v10, v12  }
0xf3: {  	vm4 =	vgt.f32 v33, v34;
	v51 =	vsel vm11, $0x15, v61;
	vm11 =	vgt.f32 v39, v22  }
0xf4: {  	v6 =	vld.idx.msk [tilespmem:v30+s3+$0x0], $0xffff;
	vm12 =	vgt.f32 v25, v26;
	v49 =	vsel vm11, v50, v49;
	vm6 =	vgt.f32 v54, v0  }
0xf5: {  	v0 =	vmax.f32 v0, v54;
	v54 =	vimm.s32 $0xC;
	v46 =	vsel vm6, $0xB, v63  }
0xf6: {  	v47 =	vsel vm7, $0xD, v54;
	vm2 =	vgt.f32 v0, v9;
	v0 =	vmax.f32 v9, v0  }
0xf7: {  	v9 =	vmax.f32 v11, v13;
	v11 =	vmax.f32 v22, v39;
	v22 =	vsel vm0, v42, v41  }
0xf8: {  	v36 =	vld.idx.msk [tilespmem:v36+s3+$0x0], $0xffff;
	vm0 =	vgt.f32 v1, v15;
	v1 =	vmax.f32 v15, v1;
	v15 =	vsel vm1, v44, v43  }
0xf9: {  	v13 =	vld.idx.msk [tilespmem:v28+s3+$0x0], $0xffff;
	v28 =	vmax.f32 v14, v8;
	vm6 =	vgt.f32 v7, v6;
	v46 =	vsel vm2, v46, v45  }
0xfa: {  	v35 =	vld.idx.msk [tilespmem:v35+s3+$0x0], $0xffff;
	v48 =	vsel vm3, v48, v47;
	v50 =	vsel vm0, v52, v51;
	vm0 =	vgt.f32 v3, v2  }
0xfb: {  	v27 =	vld.idx.msk [tilespmem:v27+s3+$0x0], $0xffff;
	v2 =	vmax.f32 v2, v3;
	vm1 =	vgt.f32 v9, v0;
	v0 =	vmax.f32 v0, v9  }
0xfc: {  	v21 =	vld.idx.msk [tilespmem:v21+s3+$0x0], $0xffff;
	v51 =	vsel vm0, v15, v22;
	vm0 =	vgt.f32 v1, v11;
	v1 =	vmax.f32 v11, v1  }
0xfd: {  	v30 =	vld [tilespmem:$0x1FFE0];
	v15 =	vsel vm1, v48, v46;
	v22 =	vsel vm0, v50, v49;
	vm0 =	vgt.f32 v0, v2  }
0xfe: {  	v3 =	vld.idx.msk [tilespmem:v24+s3+$0x0], $0xffff;
	v0 =	vmax.f32 v2, v0;
	vm1 =	vgt.f32 v4, v1;
	v1 =	vmax.f32 v1, v4  }
0xff: {  	v52 =	vld.idx.msk [tilespmem:v23+s3+$0x0], $0xffff;
	v9 =	vsel vm0, v15, v51;
	v5 =	vsel vm1, v5, v22;
	vm0 =	vgt.f32 v1, v0  }
0x100: {  	v42 =	vmax.f32 v26, v25;
	v24 =	vld.idx.msk [tilespmem:v19+s3+$0x0], $0xffff;
	vm2 =	vgt.f32 v12, v10;
	v1 =	vsel vm0, v5, v9  }
0x101: {  	vm3 =	vgt.f32 v35, v36;
	v50 =	vsel vm2, $0x3, v55;
	v55 =	vsel vm5, $0xB, v63;
	v0 =	vld.idx.msk [tilespmem:v18+s3+$0x0], $0xffff  }
0x102: {  	v15 =	vld.idx.msk [tilespmem:v17+s3+$0x0], $0xffff;
	vm1 =	vgt.f32 v37, v38;
	v17 =	vmax.f32 v36, v35;
	v18 =	vmax.f32 v32, v31  }
0x103: {  	v38 =	vld.idx.msk [tilespmem:v40+s13+$0x0], $0xffff;
	v40 =	vmax.f32 v6, v7;
	v51 =	vsel vm3, $0x7, v60;
	v60 =	vimm.s32 $0x8  }
0x104: {  	s21 =	sadd.s32 $0x2, s21;
	v2 =	vld.idx.msk [tilespmem:v20+s3+$0x0], $0xffff;
	vm0 =	vgt.f32 v8, v14;
	v14 =	vmax.f32 v34, v33;
	vm7 =	vgt.f32 v27, v13  }
0x105: {  	p0 =	slt.u32 s21, $0x6;
	v45 =	vmax.f32 v13, v27;
	v48 =	vsel vm1, $0x5, v62;
	vm13 =	vgt.f32 v52, v3;
	v1 =	vld.idx.msk [tilespmem:v1+s13+$0x0], $0xffff  }
.Ltmp1:
0x106: {  	v46 =	vmax.f32 v3, v52;
	v47 =	vsel vm0, $0x1, v53;
	v52 =	vsel vm4, $0x9, v60;
	(pc) =	sbr.rel @p0 .LBB2_4-.Ltmp1, $4  }
0x107: {  	v53 =	vsel vm6, $0xD, v54;
	v54 =	vsel vm7, $0xF, v56;
	v56 =	vsel vm12, $0x11, v57  }
0x108: {  	v22 =	vld.idx.msk [tilespmem:v30+s3+$0x0], $0xffff;
	vm0 =	vgt.f32 v29, v28;
	v57 =	vmax.f32 v28, v29;
	v58 =	vsel vm13, $0x13, v58  }
0x109: {  	vm14 =	vgt.f32 v2, v21;
	v43 =	vmax.f32 v21, v2;
	vm15 =	vgt.f32 v24, v0;
	[tilespmem:s20+$0x0] =	vst v38;
	s20 =	sadd.s32 $0x20, s20  }
0x10a: {  	s22 =	sadd.s32 $0x20, s22;
	v49 =	vmax.f32 v0, v24;
	v59 =	vsel vm15, $0x17, v59;
	[tilespmem:s20+$0xFFFFFFF0] =	vst v1;
	v1 =	vsel vm14, $0x15, v61  }
0x10b: {  	vm1 =	vgt.f32 v17, v16;
	v0 =	vmax.f32 v16, v17;
	vm2 =	vgt.f32 v18, v14  }
0x10c: {  	v2 =	vmax.f32 v14, v18;
	vm3 =	vgt.f32 v45, v40;
	v3 =	vmax.f32 v40, v45  }
0x10d: {  	vm4 =	vgt.f32 v46, v42;
	v4 =	vmax.f32 v42, v46;
	vm5 =	vgt.f32 v49, v43  }
0x10e: {  	v5 =	vsel vm0, v50, v47;
	v6 =	vmax.f32 v43, v49;
	v35 =	vimm.s32 $0x18  }
0x10f: {  	v7 =	vsel vm1, v51, v48;
	v8 =	vsel vm2, v55, v52;
	v9 =	vsel vm3, v54, v53  }
0x110: {  	v10 =	vsel vm4, v58, v56;
	v1 =	vsel vm5, v59, v1;
	vm0 =	vgt.f32 v0, v57  }
0x111: {  	v0 =	vmax.f32 v57, v0;
	vm1 =	vgt.f32 v3, v2;
	v2 =	vmax.f32 v2, v3  }
0x112: {  	vm2 =	vgt.f32 v6, v4;
	v3 =	vmax.f32 v4, v6;
	vm3 =	vgt.f32 v22, v15  }
0x113: {  	v30 =	vmax.f32 v15, v22;
	v5 =	vsel vm0, v7, v5;
	v31 =	vsel vm1, v9, v8  }
0x114: {  	v1 =	vsel vm2, v1, v10;
	vm0 =	vgt.f32 v2, v0;
	v0 =	vmax.f32 v0, v2  }
0x115: {  	vm1 =	vgt.f32 v30, v3;
	v2 =	vmax.f32 v3, v30;
	v3 =	vsel vm3, $0x19, v35  }
0x116: {  	v36 =	vsel vm0, v31, v5;
	vm0 =	vgt.f32 v2, v0;
	v0 =	vsel vm1, v3, v1  }
0x117: {  	v0 =	vsel vm0, v0, v36;
	_ =	sdelay $0x3  }
0x118: {  	v48 =	vld [tilespmem:$0x1FFF0]  }
0x119: {  	v0 =	vld.idx.msk [tilespmem:v0+s13+$0x0], $0xffff  }
0x11a: {  	s21 =	simm.s32 $0x80  }
0x11b: {  	v1 =	vmov s21  }
0x11c: {  	v1 =	vshll.u32 v1, $0x7  }
0x11d: {  	v1 =	vor.u32 v48, v1  }
0x11e: {  	v2 =	vor.u32 $0x19, v1;
	[tilespmem:s20+$0x0] =	vst v0  }
0x11f: {  	v3 =	vor.u32 $0x1, v1;
	_ =	swait.ge [sflag:s16], $0x4000  }
0x120: {  	v37 =	vor.u32 $0x2, v1;
	[sflag:s16] =	ssyncset.done $0x0  }
0x121: {  	v39 =	vor.u32 $0x3, v1;
	[sflag:s16] =	ssyncadd.s32 $0xFFFFC000  }
0x122: {  	v40 =	vor.u32 $0x4, v1;
	v38 =	vld.idx.msk [tilespmem:v1+s3+$0x0], $0xffff  }
0x123: {  	v41 =	vor.u32 $0x5, v1;
	v2 =	vld.idx.msk [tilespmem:v2+s3+$0x0], $0xffff  }
0x124: {  	v42 =	vor.u32 $0x6, v1;
	v3 =	vld.idx.msk [tilespmem:v3+s3+$0x0], $0xffff  }
0x125: {  	v43 =	vor.u32 $0x7, v1;
	v4 =	vld.idx.msk [tilespmem:v37+s3+$0x0], $0xffff  }
0x126: {  	v11 =	vor.u32 $0x8, v1;
	v6 =	vld.idx.msk [tilespmem:v39+s3+$0x0], $0xffff  }
0x127: {  	s29 =	simm.s32 $0x90;
	v34 =	vimm.s32 $0x16;
	v12 =	vor.u32 $0x9, v1;
	v7 =	vld.idx.msk [tilespmem:v40+s3+$0x0], $0xffff  }
0x128: {  	v44 =	vmov s29;
	v53 =	vimm.s32 $0x2;
	v13 =	vor.u32 $0xA, v1;
	v8 =	vld.idx.msk [tilespmem:v41+s3+$0x0], $0xffff  }
0x129: {  	v55 =	vimm.s32 $0x4;
	v54 =	vimm.s32 $0x6;
	v15 =	vor.u32 $0xB, v1;
	v9 =	vld.idx.msk [tilespmem:v42+s3+$0x0], $0xffff  }
0x12a: {  	v14 =	vshll.u32 v44, $0x7;
	v36 =	vimm.s32 $0x0;
	v16 =	vor.u32 $0xC, v1;
	v10 =	vld.idx.msk [tilespmem:v43+s3+$0x0], $0xffff  }
0x12b: {  	v14 =	vor.u32 v48, v14;
	v17 =	vor.u32 $0xD, v1;
	v18 =	vor.u32 $0xE, v1;
	v11 =	vld.idx.msk [tilespmem:v11+s3+$0x0], $0xffff  }
0x12c: {  	v19 =	vor.u32 $0xF, v1;
	v20 =	vor.u32 $0x10, v1;
	v21 =	vor.u32 $0x1, v14;
	v12 =	vld.idx.msk [tilespmem:v12+s3+$0x0], $0xffff  }
0x12d: {  	v22 =	vor.u32 $0x11, v1;
	v23 =	vor.u32 $0x2, v14;
	v24 =	vor.u32 $0x3, v14;
	v13 =	vld.idx.msk [tilespmem:v13+s3+$0x0], $0xffff  }
0x12e: {  	v25 =	vor.u32 $0x12, v1;
	v26 =	vor.u32 $0x4, v14;
	v27 =	vor.u32 $0x5, v14;
	v15 =	vld.idx.msk [tilespmem:v15+s3+$0x0], $0xffff  }
0x12f: {  	v28 =	vor.u32 $0x13, v1;
	v29 =	vor.u32 $0x6, v14;
	v30 =	vor.u32 $0x7, v14;
	v16 =	vld.idx.msk [tilespmem:v16+s3+$0x0], $0xffff  }
0x130: {  	v31 =	vor.u32 $0x14, v1;
	v32 =	vor.u32 $0x15, v1;
	v46 =	vor.u32 $0x9, v14;
	v17 =	vld.idx.msk [tilespmem:v17+s3+$0x0], $0xffff  }
0x131: {  	v47 =	vor.u32 $0xA, v14;
	v49 =	vor.u32 $0xB, v14;
	v50 =	vor.u32 $0xC, v14;
	v18 =	vld.idx.msk [tilespmem:v18+s3+$0x0], $0xffff  }
0x132: {  	v57 =	vor.u32 $0x10, v14;
	v51 =	vor.u32 $0x17, v14;
	v52 =	vor.u32 $0x18, v14;
	v19 =	vld.idx.msk [tilespmem:v19+s3+$0x0], $0xffff  }
0x133: {  	v0 =	vor.u32 $0x18, v1;
	v45 =	vld.idx.msk [tilespmem:v22+s3+$0x0], $0xffff;
	v22 =	vor.u32 $0x16, v1;
	v1 =	vor.u32 $0x17, v1  }
0x134: {  	v20 =	vld.idx.msk [tilespmem:v20+s3+$0x0], $0xffff;
	v37 =	vimm.s32 $0xC;
	v39 =	vimm.s32 $0xE;
	v40 =	vimm.s32 $0x10  }
0x135: {  	v25 =	vld.idx.msk [tilespmem:v25+s3+$0x0], $0xffff;
	v43 =	vimm.s32 $0x12;
	vm1 =	vgt.f32 v3, v38;
	v3 =	vmax.f32 v38, v3  }
0x136: {  	v28 =	vld.idx.msk [tilespmem:v28+s3+$0x0], $0xffff;
	vm3 =	vgt.f32 v6, v4;
	v4 =	vmax.f32 v4, v6;
	vm4 =	vgt.f32 v8, v7  }
0x137: {  	v31 =	vld.idx.msk [tilespmem:v31+s3+$0x0], $0xffff;
	v7 =	vmax.f32 v7, v8;
	vm5 =	vgt.f32 v10, v9;
	v9 =	vmax.f32 v9, v10  }
0x138: {  	v32 =	vld.idx.msk [tilespmem:v32+s3+$0x0], $0xffff;
	vm6 =	vgt.f32 v12, v11;
	v11 =	vmax.f32 v11, v12;
	vm7 =	vgt.f32 v15, v13  }
0x139: {  	v21 =	vld.idx.msk [tilespmem:v21+s3+$0x0], $0xffff;
	v13 =	vmax.f32 v13, v15;
	v15 =	vor.u32 $0xD, v14;
	vm8 =	vgt.f32 v17, v16  }
0x13a: {  	v0 =	vld.idx.msk [tilespmem:v0+s3+$0x0], $0xffff;
	v16 =	vmax.f32 v16, v17;
	v17 =	vor.u32 $0xE, v14;
	vm11 =	vgt.f32 v19, v18  }
0x13b: {  	v22 =	vld.idx.msk [tilespmem:v22+s3+$0x0], $0xffff;
	v18 =	vmax.f32 v18, v19;
	v19 =	vor.u32 $0xF, v14;
	vm9 =	vgt.f32 v45, v20  }
0x13c: {  	v5 =	vmax.f32 v20, v45;
	vm2 =	vgt.f32 v28, v25;
	v20 =	vmax.f32 v25, v28;
	v6 =	vld.idx.msk [tilespmem:v46+s3+$0x0], $0xffff  }
0x13d: {  	vm10 =	vgt.f32 v32, v31;
	v31 =	vmax.f32 v31, v32;
	v8 =	vld.idx.msk [tilespmem:v47+s3+$0x0], $0xffff;
	v46 =	vimm.s32 $0x14  }
0x13e: {  	v45 =	vor.u32 $0x11, v14;
	v10 =	vld.idx.msk [tilespmem:v49+s3+$0x0], $0xffff;
	v47 =	vor.u32 $0x12, v14;
	v49 =	vor.u32 $0x13, v14  }
0x13f: {  	v12 =	vld.idx.msk [tilespmem:v50+s3+$0x0], $0xffff;
	v50 =	vor.u32 $0x16, v14;
	vm0 =	vgt.f32 v2, v0;
	v0 =	vmax.f32 v0, v2  }
0x140: {  	v1 =	vld.idx.msk [tilespmem:v1+s3+$0x0], $0xffff;
	v2 =	vor.u32 $0x8, v14;
	v58 =	vsel vm1, $0x1, v36;
	vm1 =	vgt.f32 v4, v3  }
0x141: {  	v3 =	vmax.f32 v3, v4;
	v4 =	vld.idx.msk [tilespmem:v24+s3+$0x0], $0xffff;
	v24 =	vsel vm4, $0x5, v55;
	vm15 =	vgt.f32 v13, v11  }
0x142: {  	v11 =	vmax.f32 v11, v13;
	v13 =	vld.idx.msk [tilespmem:v27+s3+$0x0], $0xffff;
	v27 =	vsel vm6, $0x9, v60;
	vm13 =	vgt.f32 v18, v16  }
0x143: {  	v25 =	vld.idx.msk [tilespmem:v14+s3+$0x0], $0xffff;
	v16 =	vmax.f32 v16, v18;
	v59 =	vsel vm7, $0xB, v63;
	vm14 =	vgt.f32 v20, v5  }
0x144: {  	v5 =	vmax.f32 v5, v20;
	v61 =	vsel vm8, $0xD, v37;
	v62 =	vsel vm11, $0xF, v39  }
0x145: {  	v18 =	vld.idx.msk [tilespmem:v29+s3+$0x0], $0xffff;
	v38 =	vsel vm9, $0x11, v40;
	v42 =	vsel vm10, $0x15, v46;
	v27 =	vsel vm15, v59, v27  }
0x146: {  	v20 =	vld.idx.msk [tilespmem:v30+s3+$0x0], $0xffff;
	v30 =	vsel vm13, v62, v61;
	v56 =	vsel vm0, $0x19, v35;
	vm12 =	vgt.f32 v1, v22  }
0x147: {  	v1 =	vmax.f32 v22, v1;
	v22 =	vld.idx.msk [tilespmem:v23+s3+$0x0], $0xffff;
	v23 =	vsel vm3, $0x3, v53;
	vm3 =	vgt.f32 v9, v7  }
0x148: {  	v7 =	vmax.f32 v7, v9;
	v9 =	vld.idx.msk [tilespmem:v26+s3+$0x0], $0xffff;
	v26 =	vsel vm5, $0x7, v54;
	v59 =	vmax.f32 v25, v21  }
0x149: {  	vm5 =	vgt.f32 v10, v8;
	v23 =	vsel vm1, v23, v58;
	vm1 =	vgt.f32 v1, v31  }
0x14a: {  	v1 =	vmax.f32 v31, v1;
	v24 =	vsel vm3, v26, v24;
	v26 =	vsel vm2, $0x13, v43  }
0x14b: {  	v44 =	vsel vm12, $0x17, v34;
	vm2 =	vgt.f32 v16, v11;
	v11 =	vmax.f32 v11, v16  }
0x14c: {  	v16 =	vor.u32 $0x14, v14;
	vm3 =	vgt.f32 v20, v18;
	v62 =	vmax.f32 v18, v20  }
0x14d: {  	v20 =	vsel vm5, $0xB, v63;
	v26 =	vsel vm14, v26, v38;
	v29 =	vsel vm1, v44, v42  }
0x14e: {  	v28 =	vld.idx.msk [tilespmem:v57+s3+$0x0], $0xffff;
	vm1 =	vgt.f32 v7, v3;
	v3 =	vmax.f32 v3, v7;
	v27 =	vsel vm2, v30, v27  }
0x14f: {  	v15 =	vld.idx.msk [tilespmem:v15+s3+$0x0], $0xffff;
	v38 =	vmax.f32 v8, v10;
	v18 =	vsel vm3, $0x7, v54;
	v23 =	vsel vm1, v24, v23  }
0x150: {  	v17 =	vld.idx.msk [tilespmem:v17+s3+$0x0], $0xffff;
	v24 =	vor.u32 $0x15, v14;
	vm1 =	vgt.f32 v1, v5;
	v1 =	vmax.f32 v5, v1  }
0x151: {  	v19 =	vld.idx.msk [tilespmem:v19+s3+$0x0], $0xffff;
	v26 =	vsel vm1, v29, v26;
	vm1 =	vgt.f32 v11, v3;
	v3 =	vmax.f32 v3, v11  }
0x152: {  	v2 =	vld.idx.msk [tilespmem:v2+s3+$0x0], $0xffff;
	vm0 =	vgt.f32 v0, v1;
	v0 =	vmax.f32 v1, v0;
	v57 =	vsel vm1, v27, v23  }
0x153: {  	v31 =	vld.idx.msk [tilespmem:v45+s3+$0x0], $0xffff;
	v11 =	vsel vm0, v56, v26;
	vm0 =	vgt.f32 v0, v3;
	v0 =	vor.u32 $0x19, v14  }
0x154: {  	vm1 =	vgt.f32 v4, v22;
	v4 =	vmax.f32 v22, v4;
	vm2 =	vgt.f32 v13, v9  }
0x155: {  	s30 =	simm.s32 $0xA0;
	v9 =	vmax.f32 v9, v13;
	vm6 =	vgt.f32 v15, v12;
	v41 =	vmax.f32 v12, v15  }
0x156: {  	s31 =	simm.s32 $0xB0;
	vm7 =	vgt.f32 v19, v17;
	v42 =	vmax.f32 v17, v19;
	v17 =	vmov s30  }
0x157: {  	v26 =	vmov s31;
	v3 =	vld.idx.msk [tilespmem:v16+s3+$0x0], $0xffff;
	v16 =	vsel vm0, v11, v57;
	vm0 =	vgt.f32 v21, v25  }
0x158: {  	vm4 =	vgt.f32 v6, v2;
	v2 =	vmax.f32 v2, v6;
	vm15 =	vgt.f32 v31, v28  }
0x159: {  	v32 =	vld.idx.msk [tilespmem:v47+s3+$0x0], $0xffff;
	v44 =	vmax.f32 v28, v31;
	v15 =	vsel vm1, $0x3, v53;
	v47 =	vsel vm2, $0x5, v55  }
0x15a: {  	v61 =	vld.idx.msk [tilespmem:v51+s3+$0x0], $0xffff;
	v21 =	vsel vm6, $0xD, v37;
	v22 =	vsel vm7, $0xF, v39;
	v17 =	vshll.u32 v17, $0x7  }
0x15b: {  	v5 =	vld.idx.msk [tilespmem:v50+s3+$0x0], $0xffff;
	vm3 =	vgt.f32 v4, v59;
	v4 =	vmax.f32 v59, v4;
	vm6 =	vgt.f32 v42, v41  }
0x15c: {  	v8 =	vmax.f32 v41, v42;
	v45 =	vsel vm0, $0x1, v36;
	v19 =	vsel vm4, $0x9, v60  }
0x15d: {  	v23 =	vsel vm15, $0x11, v40;
	v28 =	vor.u32 v48, v17;
	v17 =	vshll.u32 v26, $0x7  }
0x15e: {  	v1 =	vld.idx.msk [tilespmem:v49+s3+$0x0], $0xffff;
	vm4 =	vgt.f32 v62, v9;
	v9 =	vmax.f32 v9, v62;
	v26 =	vor.u32 $0x18, v28  }
0x15f: {  	v29 =	vld.idx.msk [tilespmem:v52+s3+$0x0], $0xffff;
	vm5 =	vgt.f32 v38, v2;
	v2 =	vmax.f32 v2, v38;
	v49 =	vor.u32 $0x19, v28  }
0x160: {  	v21 =	vsel vm6, v22, v21;
	v58 =	vld.idx.msk [tilespmem:v24+s3+$0x0], $0xffff;
	vm14 =	vgt.f32 v61, v5;
	v50 =	vor.u32 $0x1, v28  }
0x161: {  	v5 =	vmax.f32 v5, v61;
	v51 =	vor.u32 $0x2, v28;
	v52 =	vor.u32 $0x3, v28;
	v0 =	vld.idx.msk [tilespmem:v0+s3+$0x0], $0xffff  }
0x162: {  	v56 =	vor.u32 $0x4, v28;
	v57 =	vor.u32 $0x5, v28;
	v59 =	vor.u32 $0x7, v28;
	v33 =	vld.idx.msk [tilespmem:v28+s3+$0x0], $0xffff  }
0x163: {  	vm9 =	vgt.f32 v9, v4;
	v4 =	vmax.f32 v4, v9;
	v61 =	vor.u32 $0x8, v28;
	v26 =	vld.idx.msk [tilespmem:v26+s3+$0x0], $0xffff  }
0x164: {  	vm10 =	vgt.f32 v8, v2;
	v2 =	vmax.f32 v2, v8;
	v62 =	vor.u32 $0x9, v28;
	v11 =	vld.idx.msk [tilespmem:v49+s3+$0x0], $0xffff  }
0x165: {  	v41 =	vor.u32 $0xC, v28;
	v42 =	vor.u32 $0xD, v28;
	v7 =	vsel vm3, v15, v45;
	v30 =	vld.idx.msk [tilespmem:v50+s3+$0x0], $0xffff  }
0x166: {  	v13 =	vsel vm4, v18, v47;
	v18 =	vor.u32 $0xE, v28;
	v19 =	vsel vm5, v20, v19;
	v31 =	vld.idx.msk [tilespmem:v51+s3+$0x0], $0xffff  }
0x167: {  	v20 =	vor.u32 $0xF, v28;
	vm12 =	vgt.f32 v1, v32;
	v1 =	vmax.f32 v32, v1;
	v32 =	vld.idx.msk [tilespmem:v52+s3+$0x0], $0xffff  }
0x168: {  	v27 =	vsel vm14, $0x17, v34;
	v7 =	vsel vm9, v13, v7;
	v24 =	vsel vm12, $0x13, v43;
	v6 =	vld.idx.msk [tilespmem:v56+s3+$0x0], $0xffff  }
0x169: {  	vm7 =	vgt.f32 v1, v44;
	v1 =	vmax.f32 v44, v1;
	vm12 =	vgt.f32 v2, v4;
	v10 =	vld.idx.msk [tilespmem:v57+s3+$0x0], $0xffff  }
0x16a: {  	v2 =	vmax.f32 v4, v2;
	vm13 =	vgt.f32 v58, v3;
	v3 =	vmax.f32 v3, v58;
	v38 =	vld.idx.msk [tilespmem:v59+s3+$0x0], $0xffff  }
0x16b: {  	v58 =	vor.u32 $0x6, v28;
	v8 =	vld.idx.msk [tilespmem:v62+s3+$0x0], $0xffff;
	vm8 =	vgt.f32 v5, v3;
	v3 =	vmax.f32 v3, v5  }
0x16c: {  	v9 =	vld.idx.msk [tilespmem:v42+s3+$0x0], $0xffff;
	vm11 =	vgt.f32 v3, v1;
	v1 =	vmax.f32 v1, v3;
	v3 =	vor.u32 $0xA, v28  }
0x16d: {  	v18 =	vld.idx.msk [tilespmem:v18+s3+$0x0], $0xffff;
	vm1 =	vgt.f32 v0, v29;
	v0 =	vmax.f32 v29, v0;
	v29 =	vor.u32 $0xB, v28  }
0x16e: {  	v45 =	vsel vm7, v24, v23;
	v5 =	vld.idx.msk [tilespmem:v41+s3+$0x0], $0xffff;
	vm2 =	vgt.f32 v0, v1;
	v0 =	vmax.f32 v1, v0  }
0x16f: {  	v23 =	vor.u32 $0x10, v28;
	v25 =	vsel vm13, $0x15, v46;
	vm0 =	vgt.f32 v0, v2;
	v2 =	vld.idx.msk [tilespmem:v61+s3+$0x0], $0xffff  }
0x170: {  	v19 =	vsel vm10, v21, v19;
	v24 =	vsel vm8, v27, v25;
	v25 =	vor.u32 $0x11, v28;
	v12 =	vld.idx.msk [tilespmem:v58+s3+$0x0], $0xffff  }
0x171: {  	v21 =	vor.u32 $0x12, v28;
	v7 =	vsel vm12, v19, v7;
	v3 =	vld.idx.msk [tilespmem:v3+s3+$0x0], $0xffff  }
0x172: {  	v17 =	vor.u32 v48, v17;
	v27 =	vor.u32 $0x13, v28;
	v44 =	vld.idx.msk [tilespmem:v29+s3+$0x0], $0xffff;
	[tilespmem:$0x1FFD0] =	vst v7  }
0x173: {  	v15 =	vor.u32 $0x3, v17;
	v22 =	vor.u32 $0x4, v17;
	v19 =	vor.u32 $0x14, v28;
	v7 =	vld.idx.msk [tilespmem:v20+s3+$0x0], $0xffff  }
0x174: {  	v47 =	vor.u32 $0x5, v17;
	v49 =	vor.u32 $0x15, v28;
	v50 =	vor.u32 $0x6, v17;
	v23 =	vld.idx.msk [tilespmem:v23+s3+$0x0], $0xffff  }
0x175: {  	v51 =	vor.u32 $0x7, v17;
	v52 =	vor.u32 $0x8, v17;
	v56 =	vor.u32 $0x9, v17;
	v25 =	vld.idx.msk [tilespmem:v25+s3+$0x0], $0xffff  }
0x176: {  	v57 =	vor.u32 $0xA, v17;
	v59 =	vor.u32 $0xC, v17;
	v1 =	vor.u32 $0x1, v17;
	v21 =	vld.idx.msk [tilespmem:v21+s3+$0x0], $0xffff  }
0x177: {  	v24 =	vsel vm11, v24, v45;
	v0 =	vor.u32 $0x2, v17;
	v61 =	vor.u32 $0xE, v17;
	v27 =	vld.idx.msk [tilespmem:v27+s3+$0x0], $0xffff  }
0x178: {  	vm4 =	vgt.f32 v30, v33;
	vm3 =	vgt.f32 v11, v26;
	v11 =	vmax.f32 v26, v11;
	v19 =	vld.idx.msk [tilespmem:v19+s3+$0x0], $0xffff  }
0x179: {  	v26 =	vor.u32 $0x16, v28;
	vm7 =	vgt.f32 v32, v31;
	v20 =	vmax.f32 v33, v30;
	v30 =	vld.idx.msk [tilespmem:v49+s3+$0x0], $0xffff  }
0x17a: {  	v31 =	vmax.f32 v31, v32;
	v28 =	vor.u32 $0x17, v28;
	vm12 =	vgt.f32 v10, v6;
	v33 =	vld.idx.msk [tilespmem:v15+s3+$0x0], $0xffff  }
0x17b: {  	v6 =	vmax.f32 v6, v10;
	v58 =	vor.u32 $0xB, v17;
	vm8 =	vgt.f32 v9, v5;
	v41 =	vld.idx.msk [tilespmem:v22+s3+$0x0], $0xffff  }
0x17c: {  	v5 =	vmax.f32 v5, v9;
	v62 =	vsel vm12, $0x5, v55;
	v15 =	vor.u32 $0x10, v17;
	v49 =	vld.idx.msk [tilespmem:v50+s3+$0x0], $0xffff  }
0x17d: {  	v29 =	vld.idx.msk [tilespmem:v57+s3+$0x0], $0xffff;
	v57 =	vor.u32 $0x14, v17;
	v22 =	vor.u32 $0x16, v17;
	vm10 =	vgt.f32 v8, v2  }
0x17e: {  	v2 =	vmax.f32 v2, v8;
	vm15 =	vgt.f32 v31, v20;
	v20 =	vmax.f32 v20, v31;
	v8 =	vld.idx.msk [tilespmem:v56+s3+$0x0], $0xffff  }
0x17f: {  	v56 =	vld.idx.msk [tilespmem:v61+s3+$0x0], $0xffff;
	v61 =	vor.u32 $0x17, v17;
	vm13 =	vgt.f32 v38, v12;
	v4 =	vmax.f32 v12, v38  }
0x180: {  	v50 =	vsel vm10, $0x9, v60;
	v9 =	vld.idx.msk [tilespmem:v58+s3+$0x0], $0xffff;
	v58 =	vor.u32 $0x15, v17;
	vm12 =	vgt.f32 v4, v6  }
0x181: {  	v13 =	vld.idx.msk [tilespmem:v47+s3+$0x0], $0xffff;
	v4 =	vmax.f32 v6, v4;
	v38 =	vsel vm13, $0x7, v54;
	vm11 =	vgt.f32 v44, v3  }
0x182: {  	v10 =	vld.idx.msk [tilespmem:v51+s3+$0x0], $0xffff;
	v3 =	vmax.f32 v3, v44;
	v6 =	vsel vm12, v38, v62;
	v62 =	vsel vm1, $0x19, v35  }
0x183: {  	v0 =	vld.idx.msk [tilespmem:v0+s3+$0x0], $0xffff;
	vm9 =	vgt.f32 v7, v18;
	v7 =	vmax.f32 v18, v7;
	vm6 =	vgt.f32 v25, v23  }
0x184: {  	v26 =	vld.idx.msk [tilespmem:v26+s3+$0x0], $0xffff;
	v18 =	vmax.f32 v23, v25;
	vm5 =	vgt.f32 v27, v21;
	v21 =	vmax.f32 v21, v27  }
0x185: {  	v28 =	vld.idx.msk [tilespmem:v28+s3+$0x0], $0xffff;
	v23 =	vsel vm4, $0x1, v36;
	vm4 =	vgt.f32 v30, v19;
	v25 =	vsel vm7, $0x3, v53  }
0x186: {  	v19 =	vmax.f32 v19, v30;
	vm13 =	vgt.f32 v3, v2;
	v2 =	vmax.f32 v2, v3;
	v30 =	vld.idx.msk [tilespmem:v59+s3+$0x0], $0xffff  }
0x187: {  	v3 =	vor.u32 $0xF, v17;
	v59 =	vld.idx.msk [tilespmem:v15+s3+$0x0], $0xffff;
	v15 =	vsel vm3, $0x19, v35;
	v38 =	vmax.f32 v41, v13  }
0x188: {  	v35 =	vor.u32 $0x19, v17;
	v42 =	vmax.f32 v49, v10;
	v23 =	vsel vm15, v25, v23  }
0x189: {  	v25 =	vor.u32 $0xD, v17;
	vm12 =	vgt.f32 v7, v5;
	v5 =	vmax.f32 v5, v7  }
0x18a: {  	vm10 =	vgt.f32 v21, v18;
	v18 =	vmax.f32 v18, v21;
	v21 =	vsel vm11, $0xB, v63  }
0x18b: {  	v12 =	vld.idx.msk [tilespmem:v52+s3+$0x0], $0xffff;
	v51 =	vsel vm9, $0xF, v39;
	v52 =	vsel vm5, $0x13, v43;
	vm3 =	vgt.f32 v33, v0  }
0x18c: {  	vm5 =	vgt.f32 v10, v49;
	vm7 =	vgt.f32 v28, v26;
	v26 =	vmax.f32 v26, v28  }
0x18d: {  	v7 =	vsel vm13, v21, v50;
	v21 =	vor.u32 $0x12, v17;
	vm13 =	vgt.f32 v4, v20  }
0x18e: {  	v4 =	vmax.f32 v20, v4;
	v20 =	vsel vm8, $0xD, v37;
	vm8 =	vgt.f32 v5, v2  }
0x18f: {  	v2 =	vmax.f32 v2, v5;
	vm11 =	vgt.f32 v26, v19;
	v19 =	vmax.f32 v19, v26  }
0x190: {  	v1 =	vld.idx.msk [tilespmem:v1+s3+$0x0], $0xffff;
	v26 =	vor.u32 $0x11, v17;
	v5 =	vsel vm12, v51, v20;
	v20 =	vsel vm7, $0x17, v34  }
0x191: {  	v27 =	vld.idx.msk [tilespmem:v17+s3+$0x0], $0xffff;
	v6 =	vsel vm13, v6, v23;
	vm9 =	vgt.f32 v19, v18;
	v18 =	vmax.f32 v18, v19  }
0x192: {  	v28 =	vld.idx.msk [tilespmem:v57+s3+$0x0], $0xffff;
	v19 =	vsel vm6, $0x11, v40;
	vm6 =	vgt.f32 v2, v4;
	v5 =	vsel vm8, v5, v7  }
0x193: {  	v7 =	vld.idx.msk [tilespmem:v61+s3+$0x0], $0xffff;
	vm14 =	vgt.f32 v11, v18;
	v11 =	vmax.f32 v18, v11;
	v18 =	vsel vm4, $0x15, v46  }
0x194: {  	v2 =	vmax.f32 v4, v2;
	v3 =	vld.idx.msk [tilespmem:v3+s3+$0x0], $0xffff;
	v4 =	vsel vm10, v52, v19;
	v18 =	vsel vm11, v20, v18  }
0x195: {  	v5 =	vsel vm6, v5, v6;
	v19 =	vmax.f32 v0, v33;
	v0 =	vld.idx.msk [tilespmem:v58+s3+$0x0], $0xffff;
	v4 =	vsel vm9, v18, v4  }
0x196: {  	v33 =	vld.idx.msk [tilespmem:v22+s3+$0x0], $0xffff;
	vm15 =	vgt.f32 v11, v2;
	v2 =	vor.u32 $0x13, v17;
	v4 =	vsel vm14, v15, v4  }
0x197: {  	v45 =	vmax.f32 v29, v9;
	v53 =	vsel vm3, $0x3, v53;
	v44 =	vld.idx.msk [tilespmem:v25+s3+$0x0], $0xffff;
	v4 =	vsel vm15, v4, v5  }
0x198: {  	v57 =	vsel vm5, $0x7, v54;
	vm7 =	vgt.f32 v9, v29;
	v25 =	vsel vm2, v62, v24;
	v62 =	vld.idx.msk [tilespmem:v16+s13+$0x0], $0xffff  }
0x199: {  	vm4 =	vgt.f32 v13, v41;
	vm6 =	vgt.f32 v8, v12;
	v41 =	vmax.f32 v12, v8;
	v18 =	vld.idx.msk [tilespmem:v21+s3+$0x0], $0xffff  }
0x19a: {  	vm2 =	vgt.f32 v1, v27;
	v20 =	vmax.f32 v27, v1;
	v1 =	vor.u32 $0x18, v17;
	v26 =	vld.idx.msk [tilespmem:v26+s3+$0x0], $0xffff  }
0x19b: {  	v51 =	vsel vm2, $0x1, v36;
	vm9 =	vgt.f32 v3, v56;
	v49 =	vmax.f32 v56, v3;
	v2 =	vld.idx.msk [tilespmem:v2+s3+$0x0], $0xffff  }
0x19c: {  	vm12 =	vgt.f32 v0, v28;
	v50 =	vmax.f32 v28, v0;
	vm1 =	vgt.f32 v7, v33;
	v3 =	vld.idx.msk [tilespmem:v4+s13+$0x0], $0xffff  }
0x19d: {  	v58 =	vmax.f32 v33, v7;
	v56 =	vsel vm4, $0x5, v55;
	v55 =	vsel vm6, $0x9, v60  }
0x19e: {  	vm8 =	vgt.f32 v44, v30;
	v44 =	vmax.f32 v30, v44;
	v61 =	vsel vm9, $0xF, v39  }
0x19f: {  	s20 =	simm.s32 $0x10110;
	v17 =	vld.idx.msk [tilespmem:v1+s3+$0x0], $0xffff;
	v1 =	vsel vm12, $0x15, v46;
	v60 =	vsel vm8, $0xD, v37;
	vm10 =	vgt.f32 v26, v59  }
0x1a0: {  	s21 =	simm.s32 $0x10130;
	[tilespmem:s20+$0xFFFFFFF0] =	vst v62;
	v47 =	vmax.f32 v59, v26;
	v59 =	vsel vm7, $0xB, v63;
	vm11 =	vgt.f32 v2, v18  }
0x1a1: {  	s22 =	simm.s32 $0xA;
	s23 =	simm.s32 $0xD0;
	v21 =	vld.idx.msk [tilespmem:v35+s3+$0x0], $0xffff;
	v62 =	vsel vm10, $0x11, v40;
	v52 =	vmax.f32 v18, v2;
	v63 =	vsel vm11, $0x13, v43;
	v43 =	vmovc v48;
	[tilespmem:s21+$0xFFFFFFF0] =	vst v3  }
.LBB2_6:
0x1a2: {  	v0 =	vmov s23;
	v2 =	vimm.s32 $0x16  }
0x1a3: {  	vm2 =	vgt.f32 v19, v20;
	v4 =	vmax.f32 v20, v19;
	vm3 =	vgt.f32 v45, v41  }
0x1a4: {  	v41 =	vmax.f32 v41, v45;
	vm4 =	vgt.f32 v49, v44;
	v44 =	vmax.f32 v44, v49  }
0x1a5: {  	vm5 =	vgt.f32 v52, v47;
	v47 =	vmax.f32 v47, v52;
	vm6 =	vgt.f32 v58, v50  }
0x1a6: {  	s24 =	sadd.s32 $0xFFFFFFF0, s23;
	v50 =	vmax.f32 v50, v58;
	v2 =	vsel vm1, $0x17, v2;
	vm1 =	vmmov vm0  }
0x1a7: {  	v3 =	vmov s24;
	v0 =	vshll.u32 v0, $0x7;
	vm0 =	vgt.f32 v42, v38  }
0x1a8: {  	v38 =	vmax.f32 v38, v42;
	v51 =	vsel vm2, v53, v51;
	v55 =	vsel vm3, v59, v55  }
0x1a9: {  	vm2 =	vgt.f32 v44, v41;
	v41 =	vmax.f32 v41, v44;
	vm3 =	vgt.f32 v50, v47  }
0x1aa: {  	v47 =	vmax.f32 v47, v50;
	v3 =	vshll.u32 v3, $0x7;
	v53 =	vsel vm0, v57, v56  }
0x1ab: {  	v57 =	vsel vm4, v61, v60;
	v60 =	vsel vm5, v63, v62;
	v1 =	vsel vm6, v2, v1  }
0x1ac: {  	vm0 =	vgt.f32 v38, v4;
	v4 =	vmax.f32 v4, v38;
	vm13 =	vgt.f32 v21, v17  }
0x1ad: {  	v17 =	vmax.f32 v17, v21;
	v51 =	vsel vm0, v53, v51;
	v0 =	vor.u32 v43, v0  }
0x1ae: {  	v57 =	vsel vm2, v57, v55;
	v1 =	vsel vm3, v1, v60;
	v3 =	vor.u32 v43, v3  }
0x1af: {  	vm0 =	vgt.f32 v41, v4;
	v4 =	vmax.f32 v4, v41;
	v5 =	vor.u32 $0x18, v3  }
0x1b0: {  	vm3 =	vgt.f32 v17, v47;
	v17 =	vmax.f32 v47, v17;
	v6 =	vor.u32 $0x19, v3  }
0x1b1: {  	v51 =	vsel vm0, v57, v51;
	v7 =	vor.u32 $0x1, v3;
	vm0 =	vgt.f32 v17, v4;
	v17 =	vld [tilespmem:$0x1FFD0]  }
0x1b2: {  	v8 =	vor.u32 $0x2, v3;
	v16 =	vld.idx.msk [tilespmem:v0+s3+$0x0], $0xffff  }
0x1b3: {  	v10 =	vor.u32 $0x3, v3;
	v9 =	vld.idx.msk [tilespmem:v3+s3+$0x0], $0xffff  }
0x1b4: {  	v55 =	vimm.s32 $0x4;
	v11 =	vor.u32 $0x4, v3;
	v5 =	vld.idx.msk [tilespmem:v5+s3+$0x0], $0xffff  }
0x1b5: {  	v60 =	vimm.s32 $0xC;
	v57 =	vimm.s32 $0x6;
	v12 =	vor.u32 $0x5, v3;
	v6 =	vld.idx.msk [tilespmem:v6+s3+$0x0], $0xffff  }
0x1b6: {  	v54 =	vor.u32 $0x1, v0;
	v48 =	vor.u32 $0x2, v0;
	v13 =	vor.u32 $0x6, v3;
	v7 =	vld.idx.msk [tilespmem:v7+s3+$0x0], $0xffff  }
0x1b7: {  	v46 =	vor.u32 $0x3, v0;
	v43 =	vor.u32 $0x4, v0;
	v14 =	vor.u32 $0x7, v3;
	v8 =	vld.idx.msk [tilespmem:v8+s3+$0x0], $0xffff  }
0x1b8: {  	v40 =	vor.u32 $0x5, v0;
	v39 =	vor.u32 $0x6, v0;
	v45 =	vor.u32 $0xC, v3;
	v10 =	vld.idx.msk [tilespmem:v10+s3+$0x0], $0xffff  }
0x1b9: {  	v37 =	vor.u32 $0x7, v0;
	v36 =	vor.u32 $0x8, v0;
	v49 =	vor.u32 $0xD, v3;
	v11 =	vld.idx.msk [tilespmem:v11+s3+$0x0], $0xffff  }
0x1ba: {  	v35 =	vor.u32 $0x9, v0;
	v34 =	vor.u32 $0xA, v0;
	v52 =	vor.u32 $0xE, v3;
	v12 =	vld.idx.msk [tilespmem:v12+s3+$0x0], $0xffff  }
0x1bb: {  	v33 =	vor.u32 $0xB, v0;
	v32 =	vor.u32 $0xC, v0;
	v56 =	vor.u32 $0x10, v3;
	v13 =	vld.idx.msk [tilespmem:v13+s3+$0x0], $0xffff  }
0x1bc: {  	v31 =	vor.u32 $0xD, v0;
	v30 =	vor.u32 $0xE, v0;
	v59 =	vor.u32 $0x11, v3;
	v14 =	vld.idx.msk [tilespmem:v14+s3+$0x0], $0xffff  }
0x1bd: {  	v29 =	vor.u32 $0xF, v0;
	v28 =	vor.u32 $0x10, v0;
	v61 =	vor.u32 $0x12, v3;
	v45 =	vld.idx.msk [tilespmem:v45+s3+$0x0], $0xffff  }
0x1be: {  	v27 =	vor.u32 $0x11, v0;
	v26 =	vor.u32 $0x12, v0;
	v62 =	vor.u32 $0x13, v3;
	v2 =	vld.idx.msk [tilespmem:v49+s3+$0x0], $0xffff  }
0x1bf: {  	v19 =	vor.u32 $0x13, v0;
	v15 =	vor.u32 $0x16, v0;
	v63 =	vor.u32 $0x14, v3;
	v38 =	vld.idx.msk [tilespmem:v52+s3+$0x0], $0xffff  }
0x1c0: {  	v24 =	vor.u32 $0x14, v0;
	v22 =	vor.u32 $0x17, v0;
	v58 =	vor.u32 $0xF, v3;
	[tilespmem:$0x1FFA0] =	vst v15;
	v50 =	vld.idx.msk [tilespmem:v56+s3+$0x0], $0xffff  }
0x1c1: {  	v18 =	vor.u32 $0x8, v3;
	v20 =	vor.u32 $0x15, v0;
	v42 =	vor.u32 $0xB, v3;
	v23 =	vmovc v51;
	[tilespmem:$0x1FFB0] =	vst v22;
	v21 =	vld.idx.msk [tilespmem:v59+s3+$0x0], $0xffff  }
0x1c2: {  	v15 =	vor.u32 $0x9, v3;
	v22 =	vor.u32 $0x18, v0;
	[tilespmem:$0x1FFD0] =	vst v23;
	v23 =	vimm.s32 $0xA;
	v49 =	vld.idx.msk [tilespmem:v61+s3+$0x0], $0xffff  }
0x1c3: {  	[tilespmem:$0x1FFC0] =	vst v22;
	v22 =	vor.u32 $0xA, v3;
	v0 =	vor.u32 $0x19, v0;
	v52 =	vld.idx.msk [tilespmem:v62+s3+$0x0], $0xffff;
	v62 =	vimm.s32 $0x18  }
0x1c4: {  	v56 =	vor.u32 $0x15, v3;
	v59 =	vor.u32 $0x16, v3;
	v61 =	vld.idx.msk [tilespmem:v63+s3+$0x0], $0xffff;
	v63 =	vsel vm13, $0x19, v62  }
0x1c5: {  	v58 =	vld.idx.msk [tilespmem:v58+s3+$0x0], $0xffff;
	v3 =	vor.u32 $0x17, v3;
	v44 =	vsel vm1, v25, v17;
	v25 =	vsel vm3, v63, v1  }
0x1c6: {  	v18 =	vld.idx.msk [tilespmem:v18+s3+$0x0], $0xffff;
	v63 =	vimm.s32 $0x12;
	vm2 =	vgt.f32 v6, v5;
	vm3 =	vgt.f32 v7, v9  }
0x1c7: {  	v42 =	vld.idx.msk [tilespmem:v42+s3+$0x0], $0xffff;
	v7 =	vmax.f32 v9, v7;
	v5 =	vmax.f32 v5, v6;
	vm1 =	vgt.f32 v10, v8  }
0x1c8: {  	v15 =	vld.idx.msk [tilespmem:v15+s3+$0x0], $0xffff;
	v6 =	vmax.f32 v8, v10;
	vm4 =	vgt.f32 v12, v11;
	v8 =	vmax.f32 v11, v12  }
0x1c9: {  	v53 =	vld.idx.msk [tilespmem:v56+s3+$0x0], $0xffff;
	vm5 =	vgt.f32 v14, v13;
	v9 =	vmax.f32 v13, v14;
	v56 =	vimm.s32 $0x2  }
0x1ca: {  	v22 =	vld.idx.msk [tilespmem:v22+s3+$0x0], $0xffff;
	vm8 =	vgt.f32 v2, v45;
	v2 =	vmax.f32 v45, v2;
	vm9 =	vgt.f32 v58, v38  }
0x1cb: {  	v1 =	vld.idx.msk [tilespmem:v59+s3+$0x0], $0xffff;
	vm10 =	vgt.f32 v21, v50;
	v17 =	vmax.f32 v50, v21;
	vm11 =	vgt.f32 v52, v49  }
0x1cc: {  	v10 =	vld.idx.msk [tilespmem:v54+s3+$0x0], $0xffff;
	v21 =	vmax.f32 v49, v52;
	v59 =	vimm.s32 $0x8;
	v54 =	vimm.s32 $0x14  }
0x1cd: {  	v39 =	vld.idx.msk [tilespmem:v39+s3+$0x0], $0xffff;
	vm6 =	vgt.f32 v15, v18;
	v11 =	vmax.f32 v18, v15;
	v15 =	vmax.f32 v38, v58  }
0x1ce: {  	v14 =	vld.idx.msk [tilespmem:v46+s3+$0x0], $0xffff;
	v41 =	vsel vm4, $0x5, v55;
	v46 =	vsel vm8, $0xD, v60;
	v49 =	vsel vm11, $0x13, v63  }
0x1cf: {  	v3 =	vld.idx.msk [tilespmem:v3+s3+$0x0], $0xffff;
	v58 =	vimm.s32 $0x16;
	vm15 =	vgt.f32 v21, v17;
	vm7 =	vgt.f32 v42, v22  }
0x1d0: {  	v13 =	vmax.f32 v22, v42;
	v22 =	vld.idx.msk [tilespmem:v40+s3+$0x0], $0xffff;
	v40 =	vsel vm1, $0x3, v56;
	v42 =	vsel vm5, $0x7, v57  }
0x1d1: {  	v18 =	vld.idx.msk [tilespmem:v43+s3+$0x0], $0xffff;
	v43 =	vsel vm6, $0x9, v59;
	vm1 =	vgt.f32 v6, v7;
	v6 =	vmax.f32 v7, v6  }
0x1d2: {  	v37 =	vld.idx.msk [tilespmem:v37+s3+$0x0], $0xffff;
	v7 =	vmax.f32 v8, v9;
	vm14 =	vgt.f32 v15, v2;
	v2 =	vmax.f32 v2, v15  }
0x1d3: {  	v36 =	vld.idx.msk [tilespmem:v36+s3+$0x0], $0xffff;
	v45 =	vsel vm7, $0xB, v23;
	vm12 =	vgt.f32 v53, v61;
	v4 =	vmax.f32 v61, v53  }
0x1d4: {  	v35 =	vld.idx.msk [tilespmem:v35+s3+$0x0], $0xffff;
	vm13 =	vgt.f32 v3, v1;
	v53 =	vimm.s32 $0x0;
	v1 =	vmax.f32 v1, v3  }
0x1d5: {  	v34 =	vld.idx.msk [tilespmem:v34+s3+$0x0], $0xffff;
	v3 =	vsel vm2, $0x19, v62;
	v61 =	vimm.s32 $0xE;
	v62 =	vimm.s32 $0x10  }
0x1d6: {  	v33 =	vld.idx.msk [tilespmem:v33+s3+$0x0], $0xffff;
	vm2 =	vgt.f32 v9, v8;
	v38 =	vsel vm3, $0x1, v53;
	v47 =	vsel vm9, $0xF, v61  }
0x1d7: {  	v12 =	vld.idx.msk [tilespmem:v48+s3+$0x0], $0xffff;
	v48 =	vsel vm10, $0x11, v62;
	v50 =	vsel vm12, $0x15, v54;
	v51 =	vsel vm13, $0x17, v58  }
0x1d8: {  	v28 =	vld.idx.msk [tilespmem:v28+s3+$0x0], $0xffff;
	vm3 =	vgt.f32 v13, v11;
	v58 =	vmax.f32 v11, v13;
	v13 =	vmax.f32 v17, v21  }
0x1d9: {  	v27 =	vld.idx.msk [tilespmem:v27+s3+$0x0], $0xffff;
	v21 =	vsel vm2, v42, v41;
	v17 =	vsel vm1, v40, v38;
	vm1 =	vgt.f32 v1, v4  }
0x1da: {  	v24 =	vld.idx.msk [tilespmem:v24+s3+$0x0], $0xffff;
	v1 =	vmax.f32 v4, v1;
	v45 =	vsel vm3, v45, v43;
	v47 =	vsel vm14, v47, v46  }
0x1db: {  	v15 =	vld.idx.msk [tilespmem:v30+s3+$0x0], $0xffff;
	v49 =	vsel vm15, v49, v48;
	vm2 =	vgt.f32 v2, v58;
	v2 =	vmax.f32 v58, v2  }
0x1dc: {  	v8 =	vld.idx.msk [tilespmem:v32+s3+$0x0], $0xffff;
	v52 =	vsel vm1, v51, v50;
	vm1 =	vgt.f32 v7, v6;
	v6 =	vmax.f32 v6, v7  }
0x1dd: {  	v32 =	vld.idx.msk [tilespmem:v20+s3+$0x0], $0xffff;
	v58 =	vsel vm1, v21, v17;
	vm1 =	vgt.f32 v1, v13;
	v1 =	vmax.f32 v13, v1  }
0x1de: {  	v11 =	vld.idx.msk [tilespmem:v31+s3+$0x0], $0xffff;
	v17 =	vsel vm2, v47, v45;
	v21 =	vsel vm1, v52, v49;
	vm1 =	vgt.f32 v2, v6  }
0x1df: {  	v4 =	vld.idx.msk [tilespmem:v29+s3+$0x0], $0xffff;
	v2 =	vmax.f32 v6, v2;
	vm2 =	vgt.f32 v5, v1;
	v1 =	vmax.f32 v1, v5  }
0x1e0: {  	v52 =	vsel vm1, v17, v58;
	v3 =	vsel vm2, v3, v21;
	vm1 =	vgt.f32 v1, v2;
	v1 =	vld [tilespmem:$0x1FFA0]  }
0x1e1: {  	v2 =	vsel vm1, v3, v52;
	v3 =	vld [tilespmem:$0x1FFB0]  }
0x1e2: {  	v7 =	vld.idx.msk [tilespmem:v26+s3+$0x0], $0xffff  }
0x1e3: {  	vm5 =	vgt.f32 v37, v39;
	vm6 =	vgt.f32 v35, v36;
	v13 =	vld.idx.msk [tilespmem:v19+s3+$0x0], $0xffff  }
0x1e4: {  	vm7 =	vgt.f32 v33, v34;
	v57 =	vsel vm5, $0x7, v57;
	v20 =	vmax.f32 v16, v10;
	v58 =	vld [tilespmem:$0x1FFC0]  }
0x1e5: {  	vm4 =	vgt.f32 v14, v12;
	v42 =	vmax.f32 v39, v37;
	v41 =	vmax.f32 v36, v35;
	v21 =	vld.idx.msk [tilespmem:v0+s3+$0x0], $0xffff  }
0x1e6: {  	vm10 =	vgt.f32 v27, v28;
	vm3 =	vgt.f32 v22, v18;
	v38 =	vmax.f32 v18, v22;
	v0 =	vld.idx.msk [tilespmem:v44+s13+$0x0], $0xffff  }
0x1e7: {  	v62 =	vsel vm10, $0x11, v62;
	v19 =	vmax.f32 v12, v14;
	v45 =	vmax.f32 v34, v33;
	v2 =	vld.idx.msk [tilespmem:v2+s13+$0x0], $0xffff  }
0x1e8: {  	s22 =	sadd.s32 $0x2, s22;
	v47 =	vmax.f32 v28, v27;
	vm12 =	vgt.f32 v32, v24;
	v50 =	vmax.f32 v24, v32;
	v1 =	vld.idx.msk [tilespmem:v1+s3+$0x0], $0xffff  }
0x1e9: {  	p0 =	slt.u32 s22, $0xE;
	vm2 =	vgt.f32 v10, v16;
	vm8 =	vgt.f32 v11, v8;
	v44 =	vmax.f32 v8, v11;
	v3 =	vld.idx.msk [tilespmem:v3+s3+$0x0], $0xffff  }
.Ltmp2:
0x1ea: {  	vm9 =	vgt.f32 v4, v15;
	v49 =	vmax.f32 v15, v4;
	v51 =	vsel vm2, $0x1, v53;
	(pc) =	sbr.rel @p0 .LBB2_6-.Ltmp2, $4  }
0x1eb: {  	v53 =	vsel vm4, $0x3, v56;
	v56 =	vsel vm3, $0x5, v55;
	v55 =	vsel vm6, $0x9, v59  }
0x1ec: {  	v59 =	vsel vm7, $0xB, v23;
	v60 =	vsel vm8, $0xD, v60;
	vm11 =	vgt.f32 v13, v7  }
0x1ed: {  	v61 =	vsel vm9, $0xF, v61;
	v52 =	vmax.f32 v7, v13;
	v63 =	vsel vm11, $0x13, v63;
	v17 =	vld.idx.msk [tilespmem:v58+s3+$0x0], $0xffff;
	[tilespmem:s20+$0x0] =	vst v0;
	s20 =	smov.u32 s21;
	s21 =	sadd.s32 $0x20, s21  }
0x1ee: {  	s23 =	sadd.s32 $0x20, s23;
	v43 =	vld [tilespmem:$0x1FFF0];
	[tilespmem:s21+$0xFFFFFFF0] =	vst v2;
	vm1 =	vgt.f32 v3, v1;
	v58 =	vmax.f32 v1, v3;
	v1 =	vsel vm12, $0x15, v54  }
0x1ef: {  	v34 =	vimm.s32 $0x16;
	v2 =	vmax.f32 v20, v19  }
0x1f0: {  	vm2 =	vgt.f32 v42, v38;
	v3 =	vmax.f32 v38, v42;
	vm3 =	vgt.f32 v45, v41  }
0x1f1: {  	v4 =	vmax.f32 v41, v45;
	vm4 =	vgt.f32 v49, v44;
	v5 =	vmax.f32 v44, v49  }
0x1f2: {  	v6 =	vmax.f32 v47, v52;
	vm6 =	vgt.f32 v58, v50;
	v7 =	vmax.f32 v50, v58  }
0x1f3: {  	v0 =	vsel vm1, $0x17, v34;
	vm1 =	vgt.f32 v19, v20;
	v9 =	vsel vm2, v57, v56  }
0x1f4: {  	v10 =	vsel vm3, v59, v55;
	v11 =	vsel vm4, v61, v60;
	vm2 =	vgt.f32 v5, v4  }
0x1f5: {  	v8 =	vsel vm1, v53, v51;
	v0 =	vsel vm6, v0, v1;
	vm1 =	vgt.f32 v3, v2  }
0x1f6: {  	v1 =	vmax.f32 v2, v3;
	v2 =	vmax.f32 v4, v5;
	v3 =	vmax.f32 v6, v7  }
0x1f7: {  	v31 =	vsel vm2, v11, v10;
	v29 =	vmax.f32 v17, v21;
	v30 =	vsel vm1, v9, v8  }
0x1f8: {  	vm1 =	vgt.f32 v2, v1;
	v1 =	vmax.f32 v1, v2;
	v2 =	vmax.f32 v3, v29  }
0x1f9: {  	v36 =	vsel vm1, v31, v30;
	vm1 =	vgt.f32 v2, v1;
	v1 =	vld [tilespmem:$0x1FFD0];
	_ =	sdelay $0x1  }
0x1fa: {  	vm0 =	vmmov vm0;
	vm5 =	vgt.f32 v52, v47;
	v35 =	vimm.s32 $0x18  }
0x1fb: {  	v12 =	vsel vm5, v63, v62;
	vm3 =	vgt.f32 v7, v6;
	vm14 =	vgt.f32 v21, v17  }
0x1fc: {  	v0 =	vsel vm3, v0, v12;
	vm2 =	vgt.f32 v29, v3;
	v3 =	vsel vm14, $0x19, v35  }
0x1fd: {  	v0 =	vsel vm2, v3, v0;
	v1 =	vsel vm0, v25, v1;
	vm0 =	vmmov vm1  }
0x1fe: {  	v0 =	vsel vm0, v0, v36;
	_ =	sdelay $0x3  }
0x1ff: {  	v1 =	vld.idx.msk [tilespmem:v1+s13+$0x0], $0xffff  }
0x200: {  	v0 =	vld.idx.msk [tilespmem:v0+s13+$0x0], $0xffff  }
0x201: {  	s22 =	simm.s32 $0x100  }
0x202: {  	v2 =	vmov s22  }
0x203: {  	v2 =	vshll.u32 v2, $0x7  }
0x204: {  	[tilespmem:s20+$0x0] =	vst v1;
	v1 =	vor.u32 v43, v2  }
0x205: {  	[tilespmem:s21+$0x0] =	vst v0;
	v0 =	vor.u32 $0x18, v1  }
0x206: {  	v2 =	vor.u32 $0x19, v1;
	_ =	swait.ge [sflag:s17], $0x8000  }
0x207: {  	v3 =	vor.u32 $0x1, v1;
	[sflag:s17] =	ssyncset.done $0x0  }
0x208: {  	v37 =	vor.u32 $0x2, v1;
	[sflag:s17] =	ssyncadd.s32 $0xFFFF8000  }
0x209: {  	v39 =	vor.u32 $0x3, v1;
	v38 =	vld.idx.msk [tilespmem:v1+s3+$0x0], $0xffff  }
0x20a: {  	v40 =	vor.u32 $0x4, v1;
	v0 =	vld.idx.msk [tilespmem:v0+s3+$0x0], $0xffff  }
0x20b: {  	v41 =	vor.u32 $0x5, v1;
	v2 =	vld.idx.msk [tilespmem:v2+s3+$0x0], $0xffff  }
0x20c: {  	v42 =	vor.u32 $0x6, v1;
	v3 =	vld.idx.msk [tilespmem:v3+s3+$0x0], $0xffff  }
0x20d: {  	s29 =	simm.s32 $0x110;
	v54 =	vimm.s32 $0x4;
	v44 =	vor.u32 $0x7, v1;
	v4 =	vld.idx.msk [tilespmem:v37+s3+$0x0], $0xffff  }
0x20e: {  	v14 =	vmov s29;
	v55 =	vimm.s32 $0x6;
	v45 =	vor.u32 $0x8, v1;
	v6 =	vld.idx.msk [tilespmem:v39+s3+$0x0], $0xffff  }
0x20f: {  	v59 =	vimm.s32 $0x8;
	v14 =	vshll.u32 v14, $0x7;
	v46 =	vor.u32 $0x9, v1;
	v7 =	vld.idx.msk [tilespmem:v40+s3+$0x0], $0xffff  }
0x210: {  	v60 =	vimm.s32 $0xA;
	v14 =	vor.u32 v43, v14;
	v13 =	vor.u32 $0xA, v1;
	v8 =	vld.idx.msk [tilespmem:v41+s3+$0x0], $0xffff  }
0x211: {  	v53 =	vimm.s32 $0x2;
	v21 =	vor.u32 $0x1, v14;
	v15 =	vor.u32 $0xB, v1;
	v9 =	vld.idx.msk [tilespmem:v42+s3+$0x0], $0xffff  }
0x212: {  	v23 =	vor.u32 $0x2, v14;
	v24 =	vor.u32 $0x3, v14;
	v16 =	vor.u32 $0xC, v1;
	v10 =	vld.idx.msk [tilespmem:v44+s3+$0x0], $0xffff  }
0x213: {  	v26 =	vor.u32 $0x4, v14;
	v27 =	vor.u32 $0x5, v14;
	v22 =	vor.u32 $0x11, v1;
	v11 =	vld.idx.msk [tilespmem:v45+s3+$0x0], $0xffff  }
0x214: {  	v29 =	vor.u32 $0x6, v14;
	v30 =	vor.u32 $0x7, v14;
	v17 =	vor.u32 $0xD, v1;
	v12 =	vld.idx.msk [tilespmem:v46+s3+$0x0], $0xffff  }
0x215: {  	v48 =	vor.u32 $0x9, v14;
	v49 =	vor.u32 $0xA, v14;
	v18 =	vor.u32 $0xE, v1;
	v13 =	vld.idx.msk [tilespmem:v13+s3+$0x0], $0xffff  }
0x216: {  	v36 =	vimm.s32 $0x0;
	v19 =	vor.u32 $0xF, v1;
	v20 =	vor.u32 $0x10, v1;
	v15 =	vld.idx.msk [tilespmem:v15+s3+$0x0], $0xffff  }
0x217: {  	v25 =	vor.u32 $0x12, v1;
	v28 =	vor.u32 $0x13, v1;
	v31 =	vor.u32 $0x14, v1;
	v16 =	vld.idx.msk [tilespmem:v16+s3+$0x0], $0xffff  }
0x218: {  	v32 =	vor.u32 $0x15, v1;
	v47 =	vld.idx.msk [tilespmem:v22+s3+$0x0], $0xffff;
	v22 =	vor.u32 $0x16, v1;
	v1 =	vor.u32 $0x17, v1  }
0x219: {  	v17 =	vld.idx.msk [tilespmem:v17+s3+$0x0], $0xffff;
	v37 =	vimm.s32 $0xC;
	v39 =	vimm.s32 $0xE;
	v40 =	vimm.s32 $0x10  }
0x21a: {  	v18 =	vld.idx.msk [tilespmem:v18+s3+$0x0], $0xffff;
	v46 =	vimm.s32 $0x12;
	v42 =	vor.u32 $0x11, v14;
	v44 =	vor.u32 $0x12, v14  }
0x21b: {  	v19 =	vld.idx.msk [tilespmem:v19+s3+$0x0], $0xffff;
	v45 =	vor.u32 $0x13, v14;
	vm1 =	vgt.f32 v3, v38;
	v3 =	vmax.f32 v38, v3  }
0x21c: {  	v20 =	vld.idx.msk [tilespmem:v20+s3+$0x0], $0xffff;
	vm0 =	vgt.f32 v2, v0;
	v0 =	vmax.f32 v0, v2;
	v2 =	vor.u32 $0x8, v14  }
0x21d: {  	v25 =	vld.idx.msk [tilespmem:v25+s3+$0x0], $0xffff;
	vm3 =	vgt.f32 v6, v4;
	v4 =	vmax.f32 v4, v6;
	vm4 =	vgt.f32 v8, v7  }
0x21e: {  	v28 =	vld.idx.msk [tilespmem:v28+s3+$0x0], $0xffff;
	v7 =	vmax.f32 v7, v8;
	vm5 =	vgt.f32 v10, v9;
	v9 =	vmax.f32 v9, v10  }
0x21f: {  	v31 =	vld.idx.msk [tilespmem:v31+s3+$0x0], $0xffff;
	v10 =	vor.u32 $0xB, v14;
	vm6 =	vgt.f32 v12, v11;
	v11 =	vmax.f32 v11, v12  }
0x220: {  	v32 =	vld.idx.msk [tilespmem:v32+s3+$0x0], $0xffff;
	v12 =	vor.u32 $0xC, v14;
	vm7 =	vgt.f32 v15, v13;
	v13 =	vmax.f32 v13, v15  }
0x221: {  	v15 =	vor.u32 $0xD, v14;
	vm8 =	vgt.f32 v17, v16;
	v16 =	vmax.f32 v16, v17  }
0x222: {  	v17 =	vor.u32 $0xE, v14;
	vm11 =	vgt.f32 v19, v18;
	v18 =	vmax.f32 v18, v19  }
0x223: {  	v22 =	vld.idx.msk [tilespmem:v22+s3+$0x0], $0xffff;
	v19 =	vor.u32 $0xF, v14;
	vm9 =	vgt.f32 v47, v20;
	v5 =	vmax.f32 v20, v47  }
0x224: {  	v1 =	vld.idx.msk [tilespmem:v1+s3+$0x0], $0xffff;
	vm2 =	vgt.f32 v28, v25;
	v20 =	vmax.f32 v25, v28;
	v28 =	vor.u32 $0x10, v14  }
0x225: {  	vm10 =	vgt.f32 v32, v31;
	v31 =	vmax.f32 v31, v32;
	v6 =	vld.idx.msk [tilespmem:v48+s3+$0x0], $0xffff;
	v48 =	vimm.s32 $0x14  }
0x226: {  	v8 =	vld.idx.msk [tilespmem:v49+s3+$0x0], $0xffff;
	v47 =	vor.u32 $0x16, v14;
	v49 =	vor.u32 $0x17, v14;
	v50 =	vsel vm1, $0x1, v36  }
0x227: {  	vm1 =	vgt.f32 v4, v3;
	v3 =	vmax.f32 v3, v4;
	v4 =	vld.idx.msk [tilespmem:v24+s3+$0x0], $0xffff;
	v24 =	vsel vm4, $0x5, v54  }
0x228: {  	vm15 =	vgt.f32 v13, v11;
	v11 =	vmax.f32 v11, v13;
	v13 =	vld.idx.msk [tilespmem:v27+s3+$0x0], $0xffff;
	v27 =	vsel vm6, $0x9, v59  }
0x229: {  	v21 =	vld.idx.msk [tilespmem:v21+s3+$0x0], $0xffff;
	vm13 =	vgt.f32 v18, v16;
	v16 =	vmax.f32 v16, v18;
	v58 =	vsel vm7, $0xB, v60  }
0x22a: {  	v25 =	vld.idx.msk [tilespmem:v14+s3+$0x0], $0xffff;
	vm14 =	vgt.f32 v20, v5;
	v5 =	vmax.f32 v5, v20;
	v61 =	vsel vm8, $0xD, v37  }
0x22b: {  	v18 =	vld.idx.msk [tilespmem:v29+s3+$0x0], $0xffff;
	v62 =	vsel vm11, $0xF, v39;
	v63 =	vsel vm9, $0x11, v40;
	v38 =	vsel vm10, $0x15, v48  }
0x22c: {  	v20 =	vld.idx.msk [tilespmem:v30+s3+$0x0], $0xffff;
	v51 =	vsel vm0, $0x19, v35;
	v27 =	vsel vm15, v58, v27;
	v30 =	vsel vm13, v62, v61  }
0x22d: {  	vm12 =	vgt.f32 v1, v22;
	v1 =	vmax.f32 v22, v1;
	v22 =	vld.idx.msk [tilespmem:v23+s3+$0x0], $0xffff;
	v23 =	vsel vm3, $0x3, v53  }
0x22e: {  	vm3 =	vgt.f32 v9, v7;
	v7 =	vmax.f32 v7, v9;
	v9 =	vld.idx.msk [tilespmem:v26+s3+$0x0], $0xffff;
	v26 =	vsel vm5, $0x7, v55  }
0x22f: {  	v57 =	vmax.f32 v25, v21;
	v23 =	vsel vm1, v23, v50;
	vm1 =	vgt.f32 v1, v31  }
0x230: {  	v1 =	vmax.f32 v31, v1;
	v24 =	vsel vm3, v26, v24;
	v26 =	vsel vm2, $0x13, v46  }
0x231: {  	v41 =	vsel vm12, $0x17, v34;
	vm2 =	vgt.f32 v16, v11;
	v11 =	vmax.f32 v11, v16  }
0x232: {  	v16 =	vor.u32 $0x14, v14;
	v50 =	vor.u32 $0x18, v14;
	vm3 =	vgt.f32 v20, v18  }
0x233: {  	v2 =	vld.idx.msk [tilespmem:v2+s3+$0x0], $0xffff;
	v61 =	vmax.f32 v18, v20;
	v26 =	vsel vm14, v26, v63;
	v29 =	vsel vm1, v41, v38  }
0x234: {  	v10 =	vld.idx.msk [tilespmem:v10+s3+$0x0], $0xffff;
	vm1 =	vgt.f32 v7, v3;
	v3 =	vmax.f32 v3, v7;
	v27 =	vsel vm2, v30, v27  }
0x235: {  	v12 =	vld.idx.msk [tilespmem:v12+s3+$0x0], $0xffff;
	v18 =	vsel vm3, $0x7, v55;
	v23 =	vsel vm1, v24, v23;
	vm1 =	vgt.f32 v1, v5  }
0x236: {  	v15 =	vld.idx.msk [tilespmem:v15+s3+$0x0], $0xffff;
	v24 =	vor.u32 $0x15, v14;
	v1 =	vmax.f32 v5, v1;
	v26 =	vsel vm1, v29, v26  }
0x237: {  	v17 =	vld.idx.msk [tilespmem:v17+s3+$0x0], $0xffff;
	vm1 =	vgt.f32 v11, v3;
	v3 =	vmax.f32 v3, v11;
	vm0 =	vgt.f32 v0, v1  }
0x238: {  	v19 =	vld.idx.msk [tilespmem:v19+s3+$0x0], $0xffff;
	v0 =	vmax.f32 v1, v0;
	v52 =	vsel vm1, v27, v23;
	v11 =	vsel vm0, v51, v26  }
0x239: {  	v28 =	vld.idx.msk [tilespmem:v28+s3+$0x0], $0xffff;
	vm0 =	vgt.f32 v0, v3;
	v0 =	vor.u32 $0x19, v14;
	vm1 =	vgt.f32 v4, v22  }
0x23a: {  	v31 =	vld.idx.msk [tilespmem:v42+s3+$0x0], $0xffff;
	v4 =	vmax.f32 v22, v4;
	vm2 =	vgt.f32 v13, v9;
	v9 =	vmax.f32 v9, v13  }
0x23b: {  	vm4 =	vgt.f32 v6, v2;
	v2 =	vmax.f32 v2, v6;
	vm5 =	vgt.f32 v10, v8  }
0x23c: {  	s30 =	simm.s32 $0x120;
	v62 =	vmax.f32 v8, v10;
	vm6 =	vgt.f32 v15, v12;
	v63 =	vmax.f32 v12, v15  }
0x23d: {  	s31 =	simm.s32 $0x130;
	vm7 =	vgt.f32 v19, v17;
	v38 =	vmax.f32 v17, v19;
	v17 =	vmov s30  }
0x23e: {  	v26 =	vmov s31;
	v3 =	vld.idx.msk [tilespmem:v16+s3+$0x0], $0xffff;
	v16 =	vsel vm0, v11, v52;
	vm0 =	vgt.f32 v21, v25  }
0x23f: {  	vm15 =	vgt.f32 v31, v28;
	v41 =	vmax.f32 v28, v31;
	v15 =	vsel vm1, $0x3, v53  }
0x240: {  	v32 =	vld.idx.msk [tilespmem:v44+s3+$0x0], $0xffff;
	v44 =	vsel vm2, $0x5, v54;
	v19 =	vsel vm4, $0x9, v59;
	v20 =	vsel vm5, $0xB, v60  }
0x241: {  	v21 =	vsel vm6, $0xD, v37;
	v22 =	vsel vm7, $0xF, v39;
	v17 =	vshll.u32 v17, $0x7  }
0x242: {  	vm3 =	vgt.f32 v4, v57;
	v4 =	vmax.f32 v57, v4;
	vm4 =	vgt.f32 v61, v9  }
0x243: {  	v58 =	vld.idx.msk [tilespmem:v49+s3+$0x0], $0xffff;
	v9 =	vmax.f32 v9, v61;
	vm5 =	vgt.f32 v62, v2;
	v2 =	vmax.f32 v2, v62  }
0x244: {  	v5 =	vld.idx.msk [tilespmem:v47+s3+$0x0], $0xffff;
	vm6 =	vgt.f32 v38, v63;
	v8 =	vmax.f32 v63, v38;
	v42 =	vsel vm0, $0x1, v36  }
0x245: {  	v23 =	vsel vm15, $0x11, v40;
	v28 =	vor.u32 v43, v17;
	v17 =	vshll.u32 v26, $0x7  }
0x246: {  	v1 =	vld.idx.msk [tilespmem:v45+s3+$0x0], $0xffff;
	vm9 =	vgt.f32 v9, v4;
	v4 =	vmax.f32 v4, v9;
	v26 =	vor.u32 $0x18, v28  }
0x247: {  	v29 =	vld.idx.msk [tilespmem:v50+s3+$0x0], $0xffff;
	vm10 =	vgt.f32 v8, v2;
	v2 =	vmax.f32 v2, v8;
	v45 =	vor.u32 $0x19, v28  }
0x248: {  	v13 =	vsel vm4, v18, v44;
	v19 =	vsel vm5, v20, v19;
	v56 =	vld.idx.msk [tilespmem:v24+s3+$0x0], $0xffff;
	v47 =	vor.u32 $0x1, v28  }
0x249: {  	v21 =	vsel vm6, v22, v21;
	vm14 =	vgt.f32 v58, v5;
	v49 =	vor.u32 $0x2, v28;
	v0 =	vld.idx.msk [tilespmem:v0+s3+$0x0], $0xffff  }
0x24a: {  	v5 =	vmax.f32 v5, v58;
	v17 =	vor.u32 v43, v17;
	v50 =	vor.u32 $0x3, v28;
	v33 =	vld.idx.msk [tilespmem:v28+s3+$0x0], $0xffff  }
0x24b: {  	v51 =	vor.u32 $0x4, v28;
	v52 =	vor.u32 $0x5, v28;
	v57 =	vor.u32 $0x7, v28;
	v26 =	vld.idx.msk [tilespmem:v26+s3+$0x0], $0xffff  }
0x24c: {  	v58 =	vor.u32 $0x8, v28;
	v61 =	vor.u32 $0x9, v28;
	v62 =	vor.u32 $0xB, v28;
	v11 =	vld.idx.msk [tilespmem:v45+s3+$0x0], $0xffff  }
0x24d: {  	v38 =	vor.u32 $0xC, v28;
	v7 =	vsel vm3, v15, v42;
	v18 =	vor.u32 $0xE, v28;
	v30 =	vld.idx.msk [tilespmem:v47+s3+$0x0], $0xffff  }
0x24e: {  	v20 =	vor.u32 $0xF, v28;
	v19 =	vsel vm10, v21, v19;
	v21 =	vor.u32 $0x12, v28;
	v31 =	vld.idx.msk [tilespmem:v49+s3+$0x0], $0xffff  }
0x24f: {  	vm12 =	vgt.f32 v1, v32;
	v1 =	vmax.f32 v32, v1;
	v27 =	vsel vm14, $0x17, v34;
	v32 =	vld.idx.msk [tilespmem:v50+s3+$0x0], $0xffff  }
0x250: {  	v15 =	vor.u32 $0x3, v17;
	v22 =	vor.u32 $0x4, v17;
	v7 =	vsel vm9, v13, v7;
	v6 =	vld.idx.msk [tilespmem:v51+s3+$0x0], $0xffff  }
0x251: {  	v24 =	vsel vm12, $0x13, v46;
	vm7 =	vgt.f32 v1, v41;
	v1 =	vmax.f32 v41, v1;
	v10 =	vld.idx.msk [tilespmem:v52+s3+$0x0], $0xffff  }
0x252: {  	vm12 =	vgt.f32 v2, v4;
	v2 =	vmax.f32 v4, v2;
	v41 =	vor.u32 $0xD, v28;
	v63 =	vld.idx.msk [tilespmem:v57+s3+$0x0], $0xffff  }
0x253: {  	v44 =	vsel vm7, v24, v23;
	vm13 =	vgt.f32 v56, v3;
	v3 =	vmax.f32 v3, v56;
	v8 =	vld.idx.msk [tilespmem:v61+s3+$0x0], $0xffff  }
0x254: {  	v56 =	vor.u32 $0x6, v28;
	v42 =	vld.idx.msk [tilespmem:v62+s3+$0x0], $0xffff;
	vm8 =	vgt.f32 v5, v3;
	v3 =	vmax.f32 v3, v5  }
0x255: {  	v18 =	vld.idx.msk [tilespmem:v18+s3+$0x0], $0xffff;
	vm11 =	vgt.f32 v3, v1;
	v1 =	vmax.f32 v1, v3;
	v3 =	vor.u32 $0xA, v28  }
0x256: {  	v23 =	vor.u32 $0x10, v28;
	v5 =	vld.idx.msk [tilespmem:v38+s3+$0x0], $0xffff;
	vm1 =	vgt.f32 v0, v29;
	v0 =	vmax.f32 v29, v0  }
0x257: {  	v25 =	vsel vm13, $0x15, v48;
	v9 =	vld.idx.msk [tilespmem:v41+s3+$0x0], $0xffff;
	vm2 =	vgt.f32 v0, v1;
	v0 =	vmax.f32 v1, v0  }
0x258: {  	v24 =	vsel vm8, v27, v25;
	v25 =	vor.u32 $0x11, v28;
	vm0 =	vgt.f32 v0, v2;
	v2 =	vld.idx.msk [tilespmem:v58+s3+$0x0], $0xffff  }
0x259: {  	v7 =	vsel vm12, v19, v7;
	v19 =	vor.u32 $0x14, v28;
	v45 =	vor.u32 $0x5, v17;
	v12 =	vld.idx.msk [tilespmem:v56+s3+$0x0], $0xffff  }
0x25a: {  	v47 =	vor.u32 $0x15, v28;
	v49 =	vor.u32 $0x6, v17;
	v27 =	vor.u32 $0x13, v28;
	v3 =	vld.idx.msk [tilespmem:v3+s3+$0x0], $0xffff;
	[tilespmem:$0x1FF90] =	vst v7  }
0x25b: {  	v50 =	vor.u32 $0x7, v17;
	v51 =	vor.u32 $0x8, v17;
	v52 =	vor.u32 $0x9, v17;
	v7 =	vld.idx.msk [tilespmem:v20+s3+$0x0], $0xffff  }
0x25c: {  	v57 =	vor.u32 $0xB, v17;
	v61 =	vor.u32 $0xE, v17;
	v1 =	vor.u32 $0x1, v17;
	v23 =	vld.idx.msk [tilespmem:v23+s3+$0x0], $0xffff  }
0x25d: {  	v24 =	vsel vm11, v24, v44;
	v0 =	vor.u32 $0x2, v17;
	v58 =	vor.u32 $0xC, v17;
	v25 =	vld.idx.msk [tilespmem:v25+s3+$0x0], $0xffff  }
0x25e: {  	vm4 =	vgt.f32 v30, v33;
	vm3 =	vgt.f32 v11, v26;
	v11 =	vmax.f32 v26, v11;
	v21 =	vld.idx.msk [tilespmem:v21+s3+$0x0], $0xffff  }
0x25f: {  	v26 =	vor.u32 $0x16, v28;
	vm7 =	vgt.f32 v32, v31;
	v31 =	vmax.f32 v31, v32;
	v27 =	vld.idx.msk [tilespmem:v27+s3+$0x0], $0xffff  }
0x260: {  	v28 =	vor.u32 $0x17, v28;
	vm12 =	vgt.f32 v10, v6;
	v6 =	vmax.f32 v6, v10;
	v19 =	vld.idx.msk [tilespmem:v19+s3+$0x0], $0xffff  }
0x261: {  	v56 =	vor.u32 $0xA, v17;
	v62 =	vsel vm12, $0x5, v54;
	v20 =	vmax.f32 v33, v30;
	v33 =	vld.idx.msk [tilespmem:v15+s3+$0x0], $0xffff  }
0x262: {  	vm8 =	vgt.f32 v9, v5;
	v5 =	vmax.f32 v5, v9;
	v38 =	vld.idx.msk [tilespmem:v22+s3+$0x0], $0xffff;
	v15 =	vor.u32 $0x10, v17  }
0x263: {  	v9 =	vld.idx.msk [tilespmem:v57+s3+$0x0], $0xffff;
	v57 =	vor.u32 $0x14, v17;
	v22 =	vor.u32 $0x16, v17;
	vm10 =	vgt.f32 v8, v2  }
0x264: {  	v30 =	vld.idx.msk [tilespmem:v47+s3+$0x0], $0xffff;
	v2 =	vmax.f32 v2, v8;
	vm15 =	vgt.f32 v31, v20;
	v20 =	vmax.f32 v20, v31  }
0x265: {  	v41 =	vld.idx.msk [tilespmem:v49+s3+$0x0], $0xffff;
	vm13 =	vgt.f32 v63, v12;
	v4 =	vmax.f32 v12, v63;
	v49 =	vsel vm10, $0x9, v59  }
0x266: {  	v10 =	vld.idx.msk [tilespmem:v50+s3+$0x0], $0xffff;
	vm12 =	vgt.f32 v4, v6;
	v4 =	vmax.f32 v6, v4;
	v63 =	vsel vm13, $0x7, v55  }
0x267: {  	v0 =	vld.idx.msk [tilespmem:v0+s3+$0x0], $0xffff;
	vm11 =	vgt.f32 v42, v3;
	v3 =	vmax.f32 v3, v42;
	v6 =	vsel vm12, v63, v62  }
0x268: {  	v26 =	vld.idx.msk [tilespmem:v26+s3+$0x0], $0xffff;
	v62 =	vor.u32 $0x17, v17;
	v63 =	vsel vm1, $0x19, v35;
	vm9 =	vgt.f32 v7, v18  }
0x269: {  	v28 =	vld.idx.msk [tilespmem:v28+s3+$0x0], $0xffff;
	v7 =	vmax.f32 v18, v7;
	vm6 =	vgt.f32 v25, v23;
	v18 =	vmax.f32 v23, v25  }
0x26a: {  	v29 =	vld.idx.msk [tilespmem:v56+s3+$0x0], $0xffff;
	vm5 =	vgt.f32 v27, v21;
	v21 =	vmax.f32 v21, v27;
	v23 =	vsel vm4, $0x1, v36  }
0x26b: {  	v56 =	vld.idx.msk [tilespmem:v61+s3+$0x0], $0xffff;
	vm4 =	vgt.f32 v30, v19;
	v25 =	vsel vm7, $0x3, v53;
	v19 =	vmax.f32 v19, v30  }
0x26c: {  	vm13 =	vgt.f32 v3, v2;
	v2 =	vmax.f32 v2, v3;
	v3 =	vor.u32 $0xF, v17;
	v30 =	vld.idx.msk [tilespmem:v58+s3+$0x0], $0xffff  }
0x26d: {  	v58 =	vor.u32 $0x15, v17;
	v61 =	vld.idx.msk [tilespmem:v15+s3+$0x0], $0xffff;
	v15 =	vsel vm3, $0x19, v35;
	v35 =	vor.u32 $0x19, v17  }
0x26e: {  	v42 =	vmax.f32 v41, v10;
	v23 =	vsel vm15, v25, v23;
	v25 =	vor.u32 $0xD, v17  }
0x26f: {  	v8 =	vld.idx.msk [tilespmem:v52+s3+$0x0], $0xffff;
	vm12 =	vgt.f32 v7, v5;
	v5 =	vmax.f32 v5, v7;
	vm10 =	vgt.f32 v21, v18  }
0x270: {  	v12 =	vld.idx.msk [tilespmem:v51+s3+$0x0], $0xffff;
	v18 =	vmax.f32 v18, v21;
	v21 =	vsel vm11, $0xB, v60;
	v50 =	vsel vm9, $0xF, v39  }
0x271: {  	v51 =	vsel vm5, $0x13, v46;
	vm3 =	vgt.f32 v33, v0;
	vm5 =	vgt.f32 v10, v41  }
0x272: {  	vm7 =	vgt.f32 v28, v26;
	v26 =	vmax.f32 v26, v28;
	v7 =	vsel vm13, v21, v49  }
0x273: {  	v21 =	vor.u32 $0x12, v17;
	vm13 =	vgt.f32 v4, v20;
	v4 =	vmax.f32 v20, v4  }
0x274: {  	v20 =	vsel vm8, $0xD, v37;
	vm8 =	vgt.f32 v5, v2;
	v2 =	vmax.f32 v2, v5  }
0x275: {  	v1 =	vld.idx.msk [tilespmem:v1+s3+$0x0], $0xffff;
	v41 =	vmax.f32 v12, v8;
	vm11 =	vgt.f32 v26, v19;
	v19 =	vmax.f32 v19, v26  }
0x276: {  	v13 =	vld.idx.msk [tilespmem:v45+s3+$0x0], $0xffff;
	v26 =	vor.u32 $0x11, v17;
	v5 =	vsel vm12, v50, v20;
	v20 =	vsel vm7, $0x17, v34  }
0x277: {  	v27 =	vld.idx.msk [tilespmem:v17+s3+$0x0], $0xffff;
	v6 =	vsel vm13, v6, v23;
	vm9 =	vgt.f32 v19, v18;
	v18 =	vmax.f32 v18, v19  }
0x278: {  	v28 =	vld.idx.msk [tilespmem:v57+s3+$0x0], $0xffff;
	v19 =	vsel vm6, $0x11, v40;
	vm6 =	vgt.f32 v2, v4;
	v5 =	vsel vm8, v5, v7  }
0x279: {  	v7 =	vld.idx.msk [tilespmem:v62+s3+$0x0], $0xffff;
	vm14 =	vgt.f32 v11, v18;
	v11 =	vmax.f32 v18, v11;
	v18 =	vsel vm4, $0x15, v48  }
0x27a: {  	v2 =	vmax.f32 v4, v2;
	v3 =	vld.idx.msk [tilespmem:v3+s3+$0x0], $0xffff;
	v4 =	vsel vm10, v51, v19;
	v18 =	vsel vm11, v20, v18  }
0x27b: {  	v5 =	vsel vm6, v5, v6;
	v19 =	vmax.f32 v0, v33;
	v0 =	vld.idx.msk [tilespmem:v58+s3+$0x0], $0xffff;
	v4 =	vsel vm9, v18, v4  }
0x27c: {  	v33 =	vld.idx.msk [tilespmem:v22+s3+$0x0], $0xffff;
	vm15 =	vgt.f32 v11, v2;
	v2 =	vor.u32 $0x13, v17;
	v4 =	vsel vm14, v15, v4  }
0x27d: {  	v45 =	vmax.f32 v29, v9;
	v53 =	vsel vm3, $0x3, v53;
	v52 =	vld.idx.msk [tilespmem:v25+s3+$0x0], $0xffff;
	v4 =	vsel vm15, v4, v5  }
0x27e: {  	v57 =	vsel vm5, $0x7, v55;
	vm7 =	vgt.f32 v9, v29;
	vm4 =	vgt.f32 v13, v38;
	v18 =	vld.idx.msk [tilespmem:v21+s3+$0x0], $0xffff  }
0x27f: {  	v38 =	vmax.f32 v38, v13;
	vm6 =	vgt.f32 v8, v12;
	v20 =	vmax.f32 v27, v1;
	v23 =	vld.idx.msk [tilespmem:v26+s3+$0x0], $0xffff  }
0x280: {  	v55 =	vsel vm6, $0x9, v59;
	v26 =	vsel vm2, v63, v24;
	vm2 =	vgt.f32 v1, v27;
	v63 =	vld.idx.msk [tilespmem:v16+s13+$0x0], $0xffff  }
0x281: {  	v59 =	vsel vm7, $0xB, v60;
	v1 =	vor.u32 $0x18, v17;
	v51 =	vsel vm2, $0x1, v36;
	v2 =	vld.idx.msk [tilespmem:v2+s3+$0x0], $0xffff  }
0x282: {  	vm9 =	vgt.f32 v3, v56;
	v49 =	vmax.f32 v56, v3;
	vm12 =	vgt.f32 v0, v28;
	v3 =	vld.idx.msk [tilespmem:v4+s13+$0x0], $0xffff  }
0x283: {  	v50 =	vmax.f32 v28, v0;
	vm1 =	vgt.f32 v7, v33;
	v58 =	vmax.f32 v33, v7  }
0x284: {  	v56 =	vsel vm4, $0x5, v54;
	vm8 =	vgt.f32 v52, v30;
	v44 =	vmax.f32 v30, v52  }
0x285: {  	s20 =	simm.s32 $0x10190;
	v60 =	vsel vm8, $0xD, v37;
	vm10 =	vgt.f32 v23, v61;
	v47 =	vmax.f32 v61, v23  }
0x286: {  	s21 =	simm.s32 $0x101B0;
	v21 =	vld.idx.msk [tilespmem:v35+s3+$0x0], $0xffff;
	[tilespmem:s20+$0xFFFFFFF0] =	vst v63;
	v61 =	vsel vm9, $0xF, v39;
	v63 =	vsel vm12, $0x15, v48;
	vm11 =	vgt.f32 v2, v18  }
0x287: {  	s23 =	simm.s32 $0x150;
	s22 =	simm.s32 $0x12;
	v17 =	vld.idx.msk [tilespmem:v1+s3+$0x0], $0xffff;
	v62 =	vsel vm10, $0x11, v40;
	v52 =	vmax.f32 v18, v2;
	v1 =	vsel vm11, $0x13, v46;
	[tilespmem:s21+$0xFFFFFFF0] =	vst v3  }
.LBB2_8:
0x288: {  	v0 =	vmov s23;
	v2 =	vimm.s32 $0x16  }
0x289: {  	vm2 =	vgt.f32 v19, v20;
	v4 =	vmax.f32 v20, v19;
	vm3 =	vgt.f32 v45, v41  }
0x28a: {  	v41 =	vmax.f32 v41, v45;
	vm4 =	vgt.f32 v49, v44;
	v44 =	vmax.f32 v44, v49  }
0x28b: {  	vm5 =	vgt.f32 v52, v47;
	v47 =	vmax.f32 v47, v52;
	vm6 =	vgt.f32 v58, v50  }
0x28c: {  	s24 =	sadd.s32 $0xFFFFFFF0, s23;
	v50 =	vmax.f32 v50, v58;
	v2 =	vsel vm1, $0x17, v2;
	vm1 =	vmmov vm0  }
0x28d: {  	v3 =	vmov s24;
	v0 =	vshll.u32 v0, $0x7;
	vm0 =	vgt.f32 v42, v38  }
0x28e: {  	v38 =	vmax.f32 v38, v42;
	v51 =	vsel vm2, v53, v51;
	v55 =	vsel vm3, v59, v55  }
0x28f: {  	v1 =	vsel vm5, v1, v62;
	vm2 =	vgt.f32 v44, v41;
	v41 =	vmax.f32 v41, v44  }
0x290: {  	vm3 =	vgt.f32 v50, v47;
	v47 =	vmax.f32 v47, v50;
	v3 =	vshll.u32 v3, $0x7  }
0x291: {  	v53 =	vsel vm0, v57, v56;
	v57 =	vsel vm4, v61, v60;
	v2 =	vsel vm6, v2, v63  }
0x292: {  	vm0 =	vgt.f32 v38, v4;
	v4 =	vmax.f32 v4, v38;
	vm13 =	vgt.f32 v21, v17  }
0x293: {  	v17 =	vmax.f32 v17, v21;
	v51 =	vsel vm0, v53, v51;
	v0 =	vor.u32 v43, v0  }
0x294: {  	v57 =	vsel vm2, v57, v55;
	v1 =	vsel vm3, v2, v1;
	v3 =	vor.u32 v43, v3  }
0x295: {  	vm0 =	vgt.f32 v41, v4;
	v4 =	vmax.f32 v4, v41;
	v5 =	vor.u32 $0x18, v3  }
0x296: {  	vm3 =	vgt.f32 v17, v47;
	v17 =	vmax.f32 v47, v17;
	v6 =	vor.u32 $0x19, v3  }
0x297: {  	v51 =	vsel vm0, v57, v51;
	v7 =	vor.u32 $0x1, v3;
	vm0 =	vgt.f32 v17, v4;
	v17 =	vld [tilespmem:$0x1FF90]  }
0x298: {  	v8 =	vor.u32 $0x2, v3;
	v16 =	vld.idx.msk [tilespmem:v0+s3+$0x0], $0xffff  }
0x299: {  	v10 =	vor.u32 $0x3, v3;
	v9 =	vld.idx.msk [tilespmem:v3+s3+$0x0], $0xffff  }
0x29a: {  	v11 =	vor.u32 $0x4, v3;
	v5 =	vld.idx.msk [tilespmem:v5+s3+$0x0], $0xffff  }
0x29b: {  	v12 =	vor.u32 $0x5, v3;
	v6 =	vld.idx.msk [tilespmem:v6+s3+$0x0], $0xffff  }
0x29c: {  	v23 =	vimm.s32 $0x2;
	v53 =	vimm.s32 $0x0;
	v13 =	vor.u32 $0x6, v3;
	v7 =	vld.idx.msk [tilespmem:v7+s3+$0x0], $0xffff  }
0x29d: {  	v55 =	vimm.s32 $0x4;
	v54 =	vor.u32 $0x1, v0;
	v14 =	vor.u32 $0x7, v3;
	v8 =	vld.idx.msk [tilespmem:v8+s3+$0x0], $0xffff  }
0x29e: {  	v48 =	vor.u32 $0x2, v0;
	v46 =	vor.u32 $0x3, v0;
	v18 =	vor.u32 $0x8, v3;
	v10 =	vld.idx.msk [tilespmem:v10+s3+$0x0], $0xffff  }
0x29f: {  	v43 =	vor.u32 $0x4, v0;
	v40 =	vor.u32 $0x5, v0;
	v42 =	vor.u32 $0xB, v3;
	v11 =	vld.idx.msk [tilespmem:v11+s3+$0x0], $0xffff  }
0x2a0: {  	v39 =	vor.u32 $0x6, v0;
	v37 =	vor.u32 $0x7, v0;
	v45 =	vor.u32 $0xC, v3;
	v12 =	vld.idx.msk [tilespmem:v12+s3+$0x0], $0xffff  }
0x2a1: {  	v36 =	vor.u32 $0x8, v0;
	v35 =	vor.u32 $0x9, v0;
	v49 =	vor.u32 $0xD, v3;
	v13 =	vld.idx.msk [tilespmem:v13+s3+$0x0], $0xffff  }
0x2a2: {  	v34 =	vor.u32 $0xA, v0;
	v33 =	vor.u32 $0xB, v0;
	v52 =	vor.u32 $0xE, v3;
	v14 =	vld.idx.msk [tilespmem:v14+s3+$0x0], $0xffff  }
0x2a3: {  	v32 =	vor.u32 $0xC, v0;
	v31 =	vor.u32 $0xD, v0;
	v56 =	vor.u32 $0x10, v3;
	v18 =	vld.idx.msk [tilespmem:v18+s3+$0x0], $0xffff  }
0x2a4: {  	v30 =	vor.u32 $0xE, v0;
	v29 =	vor.u32 $0xF, v0;
	v59 =	vor.u32 $0x11, v3;
	v42 =	vld.idx.msk [tilespmem:v42+s3+$0x0], $0xffff  }
0x2a5: {  	v28 =	vor.u32 $0x10, v0;
	v15 =	vor.u32 $0x15, v0;
	v62 =	vor.u32 $0x13, v3;
	v45 =	vld.idx.msk [tilespmem:v45+s3+$0x0], $0xffff  }
0x2a6: {  	v27 =	vor.u32 $0x11, v0;
	v22 =	vor.u32 $0x17, v0;
	v63 =	vor.u32 $0x14, v3;
	[tilespmem:$0x1FF50] =	vst v15;
	v49 =	vld.idx.msk [tilespmem:v49+s3+$0x0], $0xffff  }
0x2a7: {  	v19 =	vor.u32 $0x12, v0;
	v20 =	vor.u32 $0x13, v0;
	v58 =	vor.u32 $0xF, v3;
	v25 =	vmovc v51;
	[tilespmem:$0x1FF70] =	vst v22;
	v38 =	vld.idx.msk [tilespmem:v52+s3+$0x0], $0xffff  }
0x2a8: {  	v24 =	vor.u32 $0x14, v0;
	v60 =	vor.u32 $0x12, v3;
	v15 =	vor.u32 $0x16, v0;
	[tilespmem:$0x1FF90] =	vst v25;
	v50 =	vld.idx.msk [tilespmem:v56+s3+$0x0], $0xffff  }
0x2a9: {  	v22 =	vor.u32 $0x18, v0;
	v25 =	vimm.s32 $0xA;
	[tilespmem:$0x1FF60] =	vst v15;
	v15 =	vor.u32 $0x9, v3;
	v21 =	vld.idx.msk [tilespmem:v59+s3+$0x0], $0xffff  }
0x2aa: {  	[tilespmem:$0x1FF80] =	vst v22;
	v22 =	vor.u32 $0xA, v3;
	v0 =	vor.u32 $0x19, v0;
	v2 =	vld.idx.msk [tilespmem:v62+s3+$0x0], $0xffff;
	v62 =	vimm.s32 $0x18  }
0x2ab: {  	v56 =	vor.u32 $0x15, v3;
	v59 =	vor.u32 $0x16, v3;
	v61 =	vld.idx.msk [tilespmem:v63+s3+$0x0], $0xffff;
	v63 =	vsel vm13, $0x19, v62  }
0x2ac: {  	v58 =	vld.idx.msk [tilespmem:v58+s3+$0x0], $0xffff;
	v3 =	vor.u32 $0x17, v3;
	v44 =	vsel vm1, v26, v17;
	v26 =	vsel vm3, v63, v1  }
0x2ad: {  	v60 =	vld.idx.msk [tilespmem:v60+s3+$0x0], $0xffff;
	v63 =	vimm.s32 $0x12;
	vm2 =	vgt.f32 v6, v5;
	vm3 =	vgt.f32 v7, v9  }
0x2ae: {  	v39 =	vld.idx.msk [tilespmem:v39+s3+$0x0], $0xffff;
	v7 =	vmax.f32 v9, v7;
	v5 =	vmax.f32 v5, v6;
	vm1 =	vgt.f32 v10, v8  }
0x2af: {  	v37 =	vld.idx.msk [tilespmem:v37+s3+$0x0], $0xffff;
	v6 =	vmax.f32 v8, v10;
	vm4 =	vgt.f32 v12, v11;
	v8 =	vmax.f32 v11, v12  }
0x2b0: {  	v36 =	vld.idx.msk [tilespmem:v36+s3+$0x0], $0xffff;
	vm5 =	vgt.f32 v14, v13;
	v9 =	vmax.f32 v13, v14;
	vm8 =	vgt.f32 v49, v45  }
0x2b1: {  	v15 =	vld.idx.msk [tilespmem:v15+s3+$0x0], $0xffff;
	v14 =	vmax.f32 v45, v49;
	vm9 =	vgt.f32 v58, v38;
	v17 =	vmax.f32 v38, v58  }
0x2b2: {  	v22 =	vld.idx.msk [tilespmem:v22+s3+$0x0], $0xffff;
	vm10 =	vgt.f32 v21, v50;
	v21 =	vmax.f32 v50, v21;
	vm11 =	vgt.f32 v2, v60  }
0x2b3: {  	v1 =	vld.idx.msk [tilespmem:v59+s3+$0x0], $0xffff;
	v2 =	vmax.f32 v60, v2;
	v59 =	vimm.s32 $0x8;
	v60 =	vimm.s32 $0xC  }
0x2b4: {  	v35 =	vld.idx.msk [tilespmem:v35+s3+$0x0], $0xffff;
	v58 =	vimm.s32 $0x16;
	v38 =	vsel vm3, $0x1, v53;
	v41 =	vsel vm4, $0x5, v55  }
0x2b5: {  	v57 =	vld.idx.msk [tilespmem:v56+s3+$0x0], $0xffff;
	v49 =	vsel vm11, $0x13, v63;
	v56 =	vmax.f32 v8, v9;
	vm14 =	vgt.f32 v17, v14  }
0x2b6: {  	v3 =	vld.idx.msk [tilespmem:v3+s3+$0x0], $0xffff;
	vm15 =	vgt.f32 v2, v21;
	v2 =	vmax.f32 v21, v2;
	vm6 =	vgt.f32 v15, v18  }
0x2b7: {  	v11 =	vmax.f32 v18, v15;
	vm7 =	vgt.f32 v42, v22;
	v13 =	vmax.f32 v22, v42;
	v15 =	vld.idx.msk [tilespmem:v46+s3+$0x0], $0xffff  }
0x2b8: {  	v22 =	vld.idx.msk [tilespmem:v40+s3+$0x0], $0xffff;
	v40 =	vsel vm1, $0x3, v23;
	v46 =	vsel vm8, $0xD, v60;
	v23 =	vimm.s32 $0x14  }
0x2b9: {  	v18 =	vld.idx.msk [tilespmem:v43+s3+$0x0], $0xffff;
	v43 =	vsel vm6, $0x9, v59;
	v45 =	vsel vm7, $0xB, v25;
	vm3 =	vgt.f32 v13, v11  }
0x2ba: {  	v34 =	vld.idx.msk [tilespmem:v34+s3+$0x0], $0xffff;
	vm1 =	vgt.f32 v6, v7;
	v6 =	vmax.f32 v7, v6;
	v45 =	vsel vm3, v45, v43  }
0x2bb: {  	v33 =	vld.idx.msk [tilespmem:v33+s3+$0x0], $0xffff;
	vm12 =	vgt.f32 v57, v61;
	v4 =	vmax.f32 v61, v57;
	vm13 =	vgt.f32 v3, v1  }
0x2bc: {  	v28 =	vld.idx.msk [tilespmem:v28+s3+$0x0], $0xffff;
	v1 =	vmax.f32 v1, v3;
	v3 =	vsel vm2, $0x19, v62;
	v57 =	vimm.s32 $0x6  }
0x2bd: {  	v27 =	vld.idx.msk [tilespmem:v27+s3+$0x0], $0xffff;
	v61 =	vimm.s32 $0xE;
	v62 =	vimm.s32 $0x10;
	vm2 =	vgt.f32 v9, v8  }
0x2be: {  	v12 =	vld.idx.msk [tilespmem:v48+s3+$0x0], $0xffff;
	v42 =	vsel vm5, $0x7, v57;
	v47 =	vsel vm9, $0xF, v61;
	v48 =	vsel vm10, $0x11, v62  }
0x2bf: {  	v24 =	vld.idx.msk [tilespmem:v24+s3+$0x0], $0xffff;
	v50 =	vsel vm12, $0x15, v23;
	v51 =	vsel vm13, $0x17, v58;
	v58 =	vmax.f32 v11, v13  }
0x2c0: {  	v10 =	vld.idx.msk [tilespmem:v54+s3+$0x0], $0xffff;
	v13 =	vmax.f32 v14, v17;
	v17 =	vsel vm1, v40, v38;
	vm1 =	vgt.f32 v1, v4  }
0x2c1: {  	v8 =	vld.idx.msk [tilespmem:v32+s3+$0x0], $0xffff;
	v1 =	vmax.f32 v4, v1;
	v21 =	vsel vm2, v42, v41;
	v47 =	vsel vm14, v47, v46  }
0x2c2: {  	v9 =	vld.idx.msk [tilespmem:v19+s3+$0x0], $0xffff;
	v48 =	vsel vm15, v49, v48;
	v49 =	vsel vm1, v51, v50;
	vm1 =	vgt.f32 v56, v6  }
0x2c3: {  	v11 =	vld.idx.msk [tilespmem:v31+s3+$0x0], $0xffff;
	v6 =	vmax.f32 v6, v56;
	vm2 =	vgt.f32 v13, v58;
	v50 =	vmax.f32 v58, v13  }
0x2c4: {  	v14 =	vld.idx.msk [tilespmem:v30+s3+$0x0], $0xffff;
	v13 =	vsel vm1, v21, v17;
	vm1 =	vgt.f32 v1, v2;
	v1 =	vmax.f32 v2, v1  }
0x2c5: {  	v51 =	vld [tilespmem:$0x1FF50];
	v17 =	vsel vm2, v47, v45;
	v21 =	vsel vm1, v49, v48;
	vm1 =	vgt.f32 v50, v6  }
0x2c6: {  	v56 =	vld [tilespmem:$0x1FF70];
	v6 =	vmax.f32 v6, v50;
	vm2 =	vgt.f32 v5, v1;
	v1 =	vmax.f32 v1, v5  }
0x2c7: {  	v52 =	vsel vm1, v17, v13;
	vm1 =	vgt.f32 v1, v6;
	v1 =	vld [tilespmem:$0x1FF60]  }
0x2c8: {  	v4 =	vld.idx.msk [tilespmem:v29+s3+$0x0], $0xffff  }
0x2c9: {  	v54 =	vimm.s32 $0x16;
	vm6 =	vgt.f32 v35, v36;
	vm7 =	vgt.f32 v33, v34;
	v58 =	vld [tilespmem:$0x1FF80]  }
0x2ca: {  	vm5 =	vgt.f32 v37, v39;
	vm10 =	vgt.f32 v27, v28;
	v2 =	vld.idx.msk [tilespmem:v20+s3+$0x0], $0xffff;
	v3 =	vsel vm2, v3, v21  }
0x2cb: {  	vm4 =	vgt.f32 v15, v12;
	v19 =	vmax.f32 v12, v15;
	v21 =	vld.idx.msk [tilespmem:v0+s3+$0x0], $0xffff;
	v3 =	vsel vm1, v3, v52  }
0x2cc: {  	vm3 =	vgt.f32 v22, v18;
	v38 =	vmax.f32 v18, v22;
	v42 =	vmax.f32 v39, v37;
	v0 =	vld.idx.msk [tilespmem:v44+s13+$0x0], $0xffff  }
0x2cd: {  	v41 =	vmax.f32 v36, v35;
	v57 =	vsel vm5, $0x7, v57;
	v62 =	vsel vm10, $0x11, v62;
	v5 =	vld.idx.msk [tilespmem:v51+s3+$0x0], $0xffff  }
0x2ce: {  	v20 =	vmax.f32 v16, v10;
	v45 =	vmax.f32 v34, v33;
	v47 =	vmax.f32 v28, v27;
	v6 =	vld.idx.msk [tilespmem:v56+s3+$0x0], $0xffff  }
0x2cf: {  	s22 =	sadd.s32 $0x2, s22;
	v13 =	vimm.s32 $0x2;
	vm2 =	vgt.f32 v10, v16;
	vm8 =	vgt.f32 v11, v8;
	v1 =	vld.idx.msk [tilespmem:v1+s3+$0x0], $0xffff  }
0x2d0: {  	p0 =	slt.u32 s22, $0x1E;
	v44 =	vmax.f32 v8, v11;
	vm9 =	vgt.f32 v4, v14;
	v49 =	vmax.f32 v14, v4;
	v3 =	vld.idx.msk [tilespmem:v3+s13+$0x0], $0xffff  }
.Ltmp3:
0x2d1: {  	v60 =	vsel vm8, $0xD, v60;
	v61 =	vsel vm9, $0xF, v61;
	vm11 =	vgt.f32 v2, v9;
	(pc) =	sbr.rel @p0 .LBB2_8-.Ltmp3, $4  }
0x2d2: {  	v43 =	vld [tilespmem:$0x1FFF0];
	v52 =	vmax.f32 v9, v2;
	v51 =	vsel vm2, $0x1, v53;
	v53 =	vsel vm4, $0x3, v13  }
0x2d3: {  	v17 =	vld.idx.msk [tilespmem:v58+s3+$0x0], $0xffff;
	v56 =	vsel vm3, $0x5, v55;
	v55 =	vsel vm6, $0x9, v59;
	v59 =	vsel vm7, $0xB, v25  }
0x2d4: {  	[tilespmem:s20+$0x0] =	vst v0;
	s20 =	smov.u32 s21;
	s21 =	sadd.s32 $0x20, s21;
	vm12 =	vgt.f32 v5, v24;
	v50 =	vmax.f32 v24, v5;
	vm1 =	vgt.f32 v6, v1  }
0x2d5: {  	s23 =	sadd.s32 $0x20, s23;
	[tilespmem:s21+$0xFFFFFFF0] =	vst v3;
	v58 =	vmax.f32 v1, v6;
	v1 =	vsel vm11, $0x13, v63;
	v63 =	vsel vm12, $0x15, v23  }
0x2d6: {  	v0 =	vsel vm1, $0x17, v54  }
0x2d7: {  	vm15 =	vgt.f32 v19, v20;
	v2 =	vmax.f32 v20, v19;
	vm2 =	vgt.f32 v42, v38  }
0x2d8: {  	v3 =	vmax.f32 v38, v42;
	vm3 =	vgt.f32 v45, v41;
	v4 =	vmax.f32 v41, v45  }
0x2d9: {  	vm4 =	vgt.f32 v49, v44;
	v5 =	vmax.f32 v44, v49;
	vm5 =	vgt.f32 v52, v47  }
0x2da: {  	v6 =	vmax.f32 v47, v52;
	vm6 =	vgt.f32 v58, v50;
	v7 =	vmax.f32 v50, v58  }
0x2db: {  	v8 =	vsel vm15, v53, v51;
	v9 =	vsel vm2, v57, v56;
	v1 =	vsel vm5, v1, v62  }
0x2dc: {  	v0 =	vsel vm6, v0, v63;
	vm8 =	vgt.f32 v3, v2;
	v2 =	vmax.f32 v2, v3  }
0x2dd: {  	vm9 =	vgt.f32 v5, v4;
	v3 =	vmax.f32 v4, v5;
	vm10 =	vgt.f32 v7, v6  }
0x2de: {  	v4 =	vmax.f32 v6, v7;
	v5 =	vmax.f32 v17, v21;
	v0 =	vsel vm10, v0, v1  }
0x2df: {  	vm12 =	vgt.f32 v3, v2;
	v1 =	vmax.f32 v2, v3;
	v2 =	vmax.f32 v4, v5  }
0x2e0: {  	v10 =	vsel vm3, v59, v55;
	v11 =	vsel vm4, v61, v60;
	vm14 =	vgt.f32 v2, v1;
	v1 =	vld [tilespmem:$0x1FF90]  }
0x2e1: {  	vm11 =	vgt.f32 v21, v17;
	v6 =	vsel vm8, v9, v8;
	v3 =	vimm.s32 $0x18  }
0x2e2: {  	v7 =	vsel vm9, v11, v10;
	vm13 =	vgt.f32 v5, v4;
	v3 =	vsel vm11, $0x19, v3  }
0x2e3: {  	v4 =	vsel vm12, v7, v6;
	v0 =	vsel vm13, v3, v0;
	vm15 =	vmmov vm14  }
0x2e4: {  	vm0 =	vmmov vm0;
	v0 =	vsel vm15, v0, v4  }
0x2e5: {  	v1 =	vsel vm0, v26, v1;
	_ =	sdelay $0x3  }
0x2e6: {  	v0 =	vld.idx.msk [tilespmem:v0+s13+$0x0], $0xffff  }
0x2e7: {  	v1 =	vld.idx.msk [tilespmem:v1+s13+$0x0], $0xffff;
	_ =	sdelay $0x2  }
0x2e8: {  	s19 =	sadd.s32 $0x1, s19  }
0x2e9: {  	p0 =	sne.s32 s19, s9;
	[tilespmem:s21+$0x0] =	vst v0  }
.Ltmp4:
0x2ea: {  	[tilespmem:s20+$0x0] =	vst v1;
	(pc) =	sbr.rel @p0 .LBB2_1-.Ltmp4, $4  }
0x2eb: {  	v12 =	vimm.s32 $0x0;
	v8 =	vimm.s32 $0x12;
	v9 =	vimm.s32 $0x14;
	[hbm4b:s8+s3] =	stream.linear.scatter [tilespmem:s18], [sflag:$0x5], $0x200, $0x38;
	[tilespmem:$0x10280] =	vst v63  }
0x2ec: {  	v10 =	vimm.s32 $0x16;
	v11 =	vimm.s32 $0x18;
	v5 =	vimm.s32 $0xC;
	_ =	swait.ge [sflag:s14], $0x200  }
0x2ed: {  	v6 =	vimm.s32 $0xE;
	v7 =	vimm.s32 $0x10;
	v2 =	vimm.s32 $0x6;
	[sflag:s14] =	ssyncset.done $0x0  }
0x2ee: {  	v3 =	vimm.s32 $0x8;
	v4 =	vimm.s32 $0xA;
	v0 =	vimm.s32 $0x4;
	[sflag:s14] =	ssyncadd.s32 $0xFFFFFE00  }
0x2ef: {  	_ =	sfence.sel $0x180000  }
0x2f0: {  	[bflag:$0x0] =	sbarrier.arrive $0xFFFF  }
0x2f1: {  	p0 =	sne.s32 s0, $0x0;
	_ =	strace $0x90000047  }
0x2f2: {  	s0 =	sadd.s32 @!p0 $0x100000, s1;
	[bflag:$0x2] =	sbarrier.arrive $0xFFFF  }
0x2f3: {  	[sflag:s0] =	ssyncadd.tile.s32 @!p0 $0x1;
	_ =	shalt  }
.Lfunc_end2:
_tile_overlayer_lowered:
.L_overlay_start_2:
0x2f4: {  	(tag) =	ssettag $0x2  }
0x2f5: {  	s0 =	rddreg [dreg:$0x0];
	s2 =	stileid.u32  }
0x2f6: {  	s1 =	rddreg [dreg:$0x1];
	p0 =	sne.s32 s2, $0x0  }
0x2f7: {  	s3 =	rddreg [dreg:$0x2];
	[bflag:$0x3] =	sbarrier.arrive $0xFFFF;
	s2 =	simm.s32 @!p0 $0x1C05  }
0x2f8: {  	[timem:s3], [sflag:s2] =	dma.local @!p0 [hbm:s0], s1  }
0x2f9: {  	s0 =	simm.s32 @!p0 $0x5  }
0x2fa: {  	_ =	swait.ge @!p0 [sflag:s0], s1  }
0x2fb: {  	s1 =	ssub.s32 @!p0 $0x0, s1;
	[sflag:s0] =	ssyncset.done @!p0 $0x0  }
0x2fc: {  	[sflag:s0] =	ssyncadd.s32 @!p0 s1  }
0x2fd: {  	[bflag:$0x3] =	sbarrier.arrive $0xFFFF  }
0x2fe: {  	_ =	shalt  }

</sc_bundles>
